<compile_context>
chip_gen: v7x
topology: tpu7x:2x2x1
jax: 0.10.2.dev20260603
libtpu: 0.0.44.dev20260713+nightly
codegen_flags: <defaults>
</compile_context>

<pallas_src>
import functools

import jax
import jax.numpy as jnp
from jax import lax
from jax.experimental import pallas as pl
from jax.experimental.pallas import tpu as pltpu
from jax.experimental.pallas import tpu_sc as plsc

D = 128
S = 10
C = 32
NW = 32
LANES = 16


def _build_sc_kernel(n_pad: int):
    chunks_per_w = n_pad // (NW * C)
    mesh = plsc.VectorSubcoreMesh(core_axis_name="c", subcore_axis_name="s")

    @functools.partial(
        pl.kernel,
        mesh=mesh,
        out_type=jax.ShapeDtypeStruct((n_pad, D), jnp.float32),
        scratch_types=[
            pltpu.VMEM((S, C), jnp.int32),
            pltpu.VMEM((S * C, D), jnp.float32),
            pltpu.VMEM((C, D), jnp.float32),
            pltpu.SemaphoreType.DMA,
        ],
    )
    def sc_kernel(feat_hbm, idx_hbm, out_hbm, idx_v, rows_v, out_v, sem):
        cid = lax.axis_index("c")
        sid = lax.axis_index("s")
        n_chunks = n_pad // C
        k0 = (n_chunks * 52) // (16 * (46 + 52))
        k1 = n_chunks // 16 - k0
        my_k = jnp.where(cid == 0, k0, k1)
        base = jnp.where(cid == 0, sid * k0, 16 * k0 + sid * k1)

        def chunk_body(j, carry):
            chunk = base + j
            pltpu.sync_copy(idx_hbm.at[chunk], idx_v)
            handles = []
            for s in range(S):
                handles.append(
                    pltpu.async_copy(
                        feat_hbm.at[idx_v.at[s]], rows_v.at[pl.ds(s * C, C)], sem
                    )
                )
            for h in handles:
                h.wait()

            def node_body(i, c2):
                for g in range(D // LANES):
                    col = pl.ds(g * LANES, LANES)
                    acc = rows_v[i, col]
                    for s in range(1, S):
                        acc = jnp.maximum(acc, rows_v[s * C + i, col])
                    out_v[i, col] = acc
                return c2

            lax.fori_loop(0, C, node_body, 0)
            pltpu.sync_copy(out_v, out_hbm.at[pl.ds(chunk * C, C)])
            return carry

        lax.fori_loop(0, my_k, chunk_body, 0)

    return sc_kernel


def kernel(features, nodes, nbrs, num_sample):
    del nodes, num_sample
    n = features.shape[0]
    n_pad = ((n + NW * C - 1) // (NW * C)) * (NW * C)
    nbrs32 = jnp.pad(nbrs.astype(jnp.int32), ((0, n_pad - n), (0, 0)))
    idx_chunks = nbrs32.reshape(n_pad // C, C, S).transpose(0, 2, 1)
    out = _build_sc_kernel(n_pad)(features, idx_chunks)
    return out[:n]

# --- scband reference (transcript-rebuilt; emitter-appended) ---
"""Pipeline reference for scband-max-pool-aggregator-58514634441195 (READ-ONLY COPY).

The authoritative reference and input builder live on the scoring server;
editing this copy changes nothing except your own understanding.
"""

import jax, jax.numpy as jnp
import numpy as np

N_NODES = 50000
D_FEAT = 128
NUM_SAMPLE = 10


def setup_inputs(seed: int = 0) -> dict:
    key = jax.random.key(seed)
    k1, k2 = jax.random.split(key)
    features = jax.random.normal(k1, (N_NODES, D_FEAT), dtype=jnp.float32)
    nodes = jnp.arange(N_NODES, dtype=jnp.int64)
    # nbrs holds pre-sampled neighbour ids (num_sample per query node),
    # playing the role of neighbour_sample(nodes, nbrs, num_sample) in the
    # original torch code: the mask/unique_nodes_list machinery there just
    # selects num_sample neighbour embeddings per node before the max-pool.
    nbrs = jax.random.randint(k2, (N_NODES, NUM_SAMPLE), 0, N_NODES, dtype=jnp.int64)
    return {"features": features, "nodes": nodes, "nbrs": nbrs, "num_sample": NUM_SAMPLE}


def reference(features, nodes, nbrs, num_sample):
    # GraphSAGE max-pool aggregation:
    #   embedding_matrix = features[sampled_neighbour_ids]   (gather)
    #   agg_features[i]  = max over node i's sampled neighbours
    # nbrs already contains num_sample sampled neighbour indices per node,
    # so the per-node loop + torch.max(embds, 0) collapses to a batched gather
    # followed by a max-reduction over the neighbour axis.
    gathered = jnp.take(features, nbrs, axis=0)          # [N, num_sample, d]
    agg_features = jnp.max(gathered, axis=1)             # [N, d]
    return agg_features

if __name__ == "__main__":
    import jax
    _d = setup_inputs()
    print(jax.jit(kernel)(*tuple(_d.values())))

</pallas_src>

<mosaic_0001>
#map = affine_map<(d0, d1) -> (0, 0)>
#map1 = affine_map<(d0, d1) -> (0, 0, 0)>
module attributes {stable_mosaic.version = 14 : i64} {
  func.func @sc_kernel(%arg0: i32, %arg1: i32, %arg2: memref<50000x128xf32, #tpu.memory_space<hbm>>, %arg3: memref<1568x10x32xi32, #tpu.memory_space<hbm>>, %arg4: memref<50176x128xf32, #tpu.memory_space<hbm>>, %arg5: memref<10x32xi32, #tpu.memory_space<vmem>>, %arg6: memref<320x128xf32, #tpu.memory_space<vmem>>, %arg7: memref<32x128xf32, #tpu.memory_space<vmem>>, %arg8: memref<!tpu.dma_semaphore, #tpu.memory_space<semaphore_mem>>) attributes {dimension_semantics = [#tpu.dimension_semantics<core_parallel>, #tpu.dimension_semantics<subcore_parallel>], iteration_bounds = array<i64: 2, 16>, scalar_prefetch = 0 : i64, scratch_operands = 4 : i64, tpu.core_type = #tpu.core_type<sc_vector_subcore>, window_params = [{transform_indices = #map}, {transform_indices = #map1}, {transform_indices = #map}]} {
    %eq3A = arith.constant 0 : i32
    %eq3A_0 = arith.cmpi eq, %arg0, %eq3A : i32
    %jit3A = arith.constant 52 : i32
    %jit3A_1 = arith.constant 46 : i32
    %select_n3A = arith.select %eq3A_0, %jit3A, %jit3A_1 : i32
    %eq3A_2 = arith.constant 0 : i32
    %eq3A_3 = arith.cmpi eq, %arg0, %eq3A_2 : i32
    %mul3A = arith.constant 52 : i32
    %mul3A_4 = arith.muli %arg1, %mul3A : i32
    %mul3A_5 = arith.constant 46 : i32
    %mul3A_6 = arith.muli %arg1, %mul3A_5 : i32
    %add3A = arith.constant 832 : i32
    %add3A_7 = arith.addi %add3A, %mul3A_6 : i32
    %select_n3A_8 = arith.select %eq3A_3, %mul3A_4, %add3A_7 : i32
    %while3A = arith.constant 0 : i32
    %while3A_9 = arith.constant 0 : i32
    %while3A_10 = arith.subi %select_n3A, %while3A_9 : i32
    %while3A_11 = arith.addi %while3A_9, %while3A_10 : i32
    %while3A_12 = arith.constant 1 : i32
    %while3A_13 = arith.divsi %while3A_10, %while3A_12 : i32
    %while3A_14 = arith.muli %while3A_13, %while3A_12 : i32
    %while3A_15 = arith.addi %while3A_9, %while3A_14 : i32
    %while3A_16 = arith.constant 1 : i32
    scf.for %while3A_18 = %while3A_9 to %while3A_15 step %while3A_16  : i32 {
      %add3A_19 = arith.addi %select_n3A_8, %while3A_18 : i32
      "tpu.region"() ({
        %run_scoped3A = tpu.sem_alloc : memref<!tpu.dma_semaphore, #tpu.memory_space<semaphore_mem>>
        %dma_start3A_225 = arith.constant 0 : i32
        %dma_start3A_226 = arith.constant 0 : i32
        %dma_start3A_227 = tpu.memref_slice %arg3[%add3A_19, %dma_start3A_225, %dma_start3A_226] : memref<1568x10x32xi32, #tpu.memory_space<hbm>> -> memref<1x10x32xi32, #tpu.memory_space<hbm>>
        %dma_start3A_228 = tpu.memref_squeeze %dma_start3A_227 : memref<1x10x32xi32, #tpu.memory_space<hbm>> -> memref<10x32xi32, #tpu.memory_space<hbm>>
        %dma_start3A_229 = arith.constant 0 : i32
        %dma_start3A_230 = arith.constant 0 : i32
        %dma_start3A_231 = tpu.memref_slice %arg3[%add3A_19, %dma_start3A_229, %dma_start3A_230] : memref<1568x10x32xi32, #tpu.memory_space<hbm>> -> memref<1x10x32xi32, #tpu.memory_space<hbm>>
        %dma_start3A_232 = tpu.memref_squeeze %dma_start3A_231 : memref<1x10x32xi32, #tpu.memory_space<hbm>> -> memref<10x32xi32, #tpu.memory_space<hbm>>
        tpu.enqueue_dma source(%dma_start3A_232 : memref<10x32xi32, #tpu.memory_space<hbm>>) target(%arg5 : memref<10x32xi32, #tpu.memory_space<vmem>>) target_semaphore(%run_scoped3A : memref<!tpu.dma_semaphore, #tpu.memory_space<semaphore_mem>>)
        %dma_wait3A_233 = arith.constant 0 : i32
        %dma_wait3A_234 = arith.constant 0 : i32
        %dma_wait3A_235 = tpu.memref_slice %arg3[%add3A_19, %dma_wait3A_233, %dma_wait3A_234] : memref<1568x10x32xi32, #tpu.memory_space<hbm>> -> memref<1x10x32xi32, #tpu.memory_space<hbm>>
        %dma_wait3A_236 = tpu.memref_squeeze %dma_wait3A_235 : memref<1x10x32xi32, #tpu.memory_space<hbm>> -> memref<10x32xi32, #tpu.memory_space<hbm>>
        %dma_wait3A_237 = arith.constant 0 : i32
        %dma_wait3A_238 = arith.constant 0 : i32
        %dma_wait3A_239 = tpu.memref_slice %arg3[%add3A_19, %dma_wait3A_237, %dma_wait3A_238] : memref<1568x10x32xi32, #tpu.memory_space<hbm>> -> memref<1x10x32xi32, #tpu.memory_space<hbm>>
        %dma_wait3A_240 = tpu.memref_squeeze %dma_wait3A_239 : memref<1x10x32xi32, #tpu.memory_space<hbm>> -> memref<10x32xi32, #tpu.memory_space<hbm>>
        tpu.wait_dma2 semaphore(%run_scoped3A : memref<!tpu.dma_semaphore, #tpu.memory_space<semaphore_mem>>) src(%dma_wait3A_240 : memref<10x32xi32, #tpu.memory_space<hbm>>) dst(%arg5 : memref<10x32xi32, #tpu.memory_space<vmem>>)
        tpu.yield
      }) : () -> ()
      %dma_start3A = arith.constant 0 : i32
      %dma_start3A_20 = arith.constant 0 : i32
      %dma_start3A_21 = arith.constant 0 : i32
      %dma_start3A_22 = tpu.memref_slice %arg6[%dma_start3A_20, %dma_start3A_21] : memref<320x128xf32, #tpu.memory_space<vmem>> -> memref<32x128xf32, #tpu.memory_space<vmem>>
      %dma_start3A_23 = arith.constant 0 : i32
      %dma_start3A_24 = tpu.memref_slice %arg5[%dma_start3A, %dma_start3A_23] : memref<10x32xi32, #tpu.memory_space<vmem>> -> memref<1x32xi32, #tpu.memory_space<vmem>>
      %dma_start3A_25 = tpu.memref_squeeze %dma_start3A_24 : memref<1x32xi32, #tpu.memory_space<vmem>> -> memref<32xi32, #tpu.memory_space<vmem>>
      %dma_start3A_26 = arith.constant 0 : i32
      %dma_start3A_27 = arith.constant 0 : i32
      %dma_start3A_28 = tpu.memref_slice %arg2[%dma_start3A_26, %dma_start3A_27] : memref<50000x128xf32, #tpu.memory_space<hbm>> -> memref<50000x128xf32, #tpu.memory_space<hbm>>
      tpu.enqueue_indirect_dma source(%dma_start3A_28 : memref<50000x128xf32, #tpu.memory_space<hbm>>) target(%dma_start3A_22 : memref<32x128xf32, #tpu.memory_space<vmem>>) offsets(%dma_start3A_25 : memref<32xi32, #tpu.memory_space<vmem>>) semaphore(%arg8 : memref<!tpu.dma_semaphore, #tpu.memory_space<semaphore_mem>>)
      %dma_start3A_29 = arith.constant 1 : i32
      %dma_start3A_30 = arith.constant 32 : i32
      %dma_start3A_31 = arith.constant 0 : i32
      %dma_start3A_32 = tpu.memref_slice %arg6[%dma_start3A_30, %dma_start3A_31] : memref<320x128xf32, #tpu.memory_space<vmem>> -> memref<32x128xf32, #tpu.memory_space<vmem>>
      %dma_start3A_33 = arith.constant 0 : i32
      %dma_start3A_34 = tpu.memref_slice %arg5[%dma_start3A_29, %dma_start3A_33] : memref<10x32xi32, #tpu.memory_space<vmem>> -> memref<1x32xi32, #tpu.memory_space<vmem>>
      %dma_start3A_35 = tpu.memref_squeeze %dma_start3A_34 : memref<1x32xi32, #tpu.memory_space<vmem>> -> memref<32xi32, #tpu.memory_space<vmem>>
      %dma_start3A_36 = arith.constant 0 : i32
      %dma_start3A_37 = arith.constant 0 : i32
      %dma_start3A_38 = tpu.memref_slice %arg2[%dma_start3A_36, %dma_start3A_37] : memref<50000x128xf32, #tpu.memory_space<hbm>> -> memref<50000x128xf32, #tpu.memory_space<hbm>>
      tpu.enqueue_indirect_dma source(%dma_start3A_38 : memref<50000x128xf32, #tpu.memory_space<hbm>>) target(%dma_start3A_32 : memref<32x128xf32, #tpu.memory_space<vmem>>) offsets(%dma_start3A_35 : memref<32xi32, #tpu.memory_space<vmem>>) semaphore(%arg8 : memref<!tpu.dma_semaphore, #tpu.memory_space<semaphore_mem>>)
      %dma_start3A_39 = arith.constant 2 : i32
      %dma_start3A_40 = arith.constant 64 : i32
      %dma_start3A_41 = arith.constant 0 : i32
      %dma_start3A_42 = tpu.memref_slice %arg6[%dma_start3A_40, %dma_start3A_41] : memref<320x128xf32, #tpu.memory_space<vmem>> -> memref<32x128xf32, #tpu.memory_space<vmem>>
      %dma_start3A_43 = arith.constant 0 : i32
      %dma_start3A_44 = tpu.memref_slice %arg5[%dma_start3A_39, %dma_start3A_43] : memref<10x32xi32, #tpu.memory_space<vmem>> -> memref<1x32xi32, #tpu.memory_space<vmem>>
      %dma_start3A_45 = tpu.memref_squeeze %dma_start3A_44 : memref<1x32xi32, #tpu.memory_space<vmem>> -> memref<32xi32, #tpu.memory_space<vmem>>
      %dma_start3A_46 = arith.constant 0 : i32
      %dma_start3A_47 = arith.constant 0 : i32
      %dma_start3A_48 = tpu.memref_slice %arg2[%dma_start3A_46, %dma_start3A_47] : memref<50000x128xf32, #tpu.memory_space<hbm>> -> memref<50000x128xf32, #tpu.memory_space<hbm>>
      tpu.enqueue_indirect_dma source(%dma_start3A_48 : memref<50000x128xf32, #tpu.memory_space<hbm>>) target(%dma_start3A_42 : memref<32x128xf32, #tpu.memory_space<vmem>>) offsets(%dma_start3A_45 : memref<32xi32, #tpu.memory_space<vmem>>) semaphore(%arg8 : memref<!tpu.dma_semaphore, #tpu.memory_space<semaphore_mem>>)
      %dma_start3A_49 = arith.constant 3 : i32
      %dma_start3A_50 = arith.constant 96 : i32
      %dma_start3A_51 = arith.constant 0 : i32
      %dma_start3A_52 = tpu.memref_slice %arg6[%dma_start3A_50, %dma_start3A_51] : memref<320x128xf32, #tpu.memory_space<vmem>> -> memref<32x128xf32, #tpu.memory_space<vmem>>
      %dma_start3A_53 = arith.constant 0 : i32
      %dma_start3A_54 = tpu.memref_slice %arg5[%dma_start3A_49, %dma_start3A_53] : memref<10x32xi32, #tpu.memory_space<vmem>> -> memref<1x32xi32, #tpu.memory_space<vmem>>
      %dma_start3A_55 = tpu.memref_squeeze %dma_start3A_54 : memref<1x32xi32, #tpu.memory_space<vmem>> -> memref<32xi32, #tpu.memory_space<vmem>>
      %dma_start3A_56 = arith.constant 0 : i32
      %dma_start3A_57 = arith.constant 0 : i32
      %dma_start3A_58 = tpu.memref_slice %arg2[%dma_start3A_56, %dma_start3A_57] : memref<50000x128xf32, #tpu.memory_space<hbm>> -> memref<50000x128xf32, #tpu.memory_space<hbm>>
      tpu.enqueue_indirect_dma source(%dma_start3A_58 : memref<50000x128xf32, #tpu.memory_space<hbm>>) target(%dma_start3A_52 : memref<32x128xf32, #tpu.memory_space<vmem>>) offsets(%dma_start3A_55 : memref<32xi32, #tpu.memory_space<vmem>>) semaphore(%arg8 : memref<!tpu.dma_semaphore, #tpu.memory_space<semaphore_mem>>)
      %dma_start3A_59 = arith.constant 4 : i32
      %dma_start3A_60 = arith.constant 128 : i32
      %dma_start3A_61 = arith.constant 0 : i32
      %dma_start3A_62 = tpu.memref_slice %arg6[%dma_start3A_60, %dma_start3A_61] : memref<320x128xf32, #tpu.memory_space<vmem>> -> memref<32x128xf32, #tpu.memory_space<vmem>>
      %dma_start3A_63 = arith.constant 0 : i32
      %dma_start3A_64 = tpu.memref_slice %arg5[%dma_start3A_59, %dma_start3A_63] : memref<10x32xi32, #tpu.memory_space<vmem>> -> memref<1x32xi32, #tpu.memory_space<vmem>>
      %dma_start3A_65 = tpu.memref_squeeze %dma_start3A_64 : memref<1x32xi32, #tpu.memory_space<vmem>> -> memref<32xi32, #tpu.memory_space<vmem>>
      %dma_start3A_66 = arith.constant 0 : i32
      %dma_start3A_67 = arith.constant 0 : i32
      %dma_start3A_68 = tpu.memref_slice %arg2[%dma_start3A_66, %dma_start3A_67] : memref<50000x128xf32, #tpu.memory_space<hbm>> -> memref<50000x128xf32, #tpu.memory_space<hbm>>
      tpu.enqueue_indirect_dma source(%dma_start3A_68 : memref<50000x128xf32, #tpu.memory_space<hbm>>) target(%dma_start3A_62 : memref<32x128xf32, #tpu.memory_space<vmem>>) offsets(%dma_start3A_65 : memref<32xi32, #tpu.memory_space<vmem>>) semaphore(%arg8 : memref<!tpu.dma_semaphore, #tpu.memory_space<semaphore_mem>>)
      %dma_start3A_69 = arith.constant 5 : i32
      %dma_start3A_70 = arith.constant 160 : i32
      %dma_start3A_71 = arith.constant 0 : i32
      %dma_start3A_72 = tpu.memref_slice %arg6[%dma_start3A_70, %dma_start3A_71] : memref<320x128xf32, #tpu.memory_space<vmem>> -> memref<32x128xf32, #tpu.memory_space<vmem>>
      %dma_start3A_73 = arith.constant 0 : i32
      %dma_start3A_74 = tpu.memref_slice %arg5[%dma_start3A_69, %dma_start3A_73] : memref<10x32xi32, #tpu.memory_space<vmem>> -> memref<1x32xi32, #tpu.memory_space<vmem>>
      %dma_start3A_75 = tpu.memref_squeeze %dma_start3A_74 : memref<1x32xi32, #tpu.memory_space<vmem>> -> memref<32xi32, #tpu.memory_space<vmem>>
      %dma_start3A_76 = arith.constant 0 : i32
      %dma_start3A_77 = arith.constant 0 : i32
      %dma_start3A_78 = tpu.memref_slice %arg2[%dma_start3A_76, %dma_start3A_77] : memref<50000x128xf32, #tpu.memory_space<hbm>> -> memref<50000x128xf32, #tpu.memory_space<hbm>>
      tpu.enqueue_indirect_dma source(%dma_start3A_78 : memref<50000x128xf32, #tpu.memory_space<hbm>>) target(%dma_start3A_72 : memref<32x128xf32, #tpu.memory_space<vmem>>) offsets(%dma_start3A_75 : memref<32xi32, #tpu.memory_space<vmem>>) semaphore(%arg8 : memref<!tpu.dma_semaphore, #tpu.memory_space<semaphore_mem>>)
      %dma_start3A_79 = arith.constant 6 : i32
      %dma_start3A_80 = arith.constant 192 : i32
      %dma_start3A_81 = arith.constant 0 : i32
      %dma_start3A_82 = tpu.memref_slice %arg6[%dma_start3A_80, %dma_start3A_81] : memref<320x128xf32, #tpu.memory_space<vmem>> -> memref<32x128xf32, #tpu.memory_space<vmem>>
      %dma_start3A_83 = arith.constant 0 : i32
      %dma_start3A_84 = tpu.memref_slice %arg5[%dma_start3A_79, %dma_start3A_83] : memref<10x32xi32, #tpu.memory_space<vmem>> -> memref<1x32xi32, #tpu.memory_space<vmem>>
      %dma_start3A_85 = tpu.memref_squeeze %dma_start3A_84 : memref<1x32xi32, #tpu.memory_space<vmem>> -> memref<32xi32, #tpu.memory_space<vmem>>
      %dma_start3A_86 = arith.constant 0 : i32
      %dma_start3A_87 = arith.constant 0 : i32
      %dma_start3A_88 = tpu.memref_slice %arg2[%dma_start3A_86, %dma_start3A_87] : memref<50000x128xf32, #tpu.memory_space<hbm>> -> memref<50000x128xf32, #tpu.memory_space<hbm>>
      tpu.enqueue_indirect_dma source(%dma_start3A_88 : memref<50000x128xf32, #tpu.memory_space<hbm>>) target(%dma_start3A_82 : memref<32x128xf32, #tpu.memory_space<vmem>>) offsets(%dma_start3A_85 : memref<32xi32, #tpu.memory_space<vmem>>) semaphore(%arg8 : memref<!tpu.dma_semaphore, #tpu.memory_space<semaphore_mem>>)
      %dma_start3A_89 = arith.constant 7 : i32
      %dma_start3A_90 = arith.constant 224 : i32
      %dma_start3A_91 = arith.constant 0 : i32
      %dma_start3A_92 = tpu.memref_slice %arg6[%dma_start3A_90, %dma_start3A_91] : memref<320x128xf32, #tpu.memory_space<vmem>> -> memref<32x128xf32, #tpu.memory_space<vmem>>
      %dma_start3A_93 = arith.constant 0 : i32
      %dma_start3A_94 = tpu.memref_slice %arg5[%dma_start3A_89, %dma_start3A_93] : memref<10x32xi32, #tpu.memory_space<vmem>> -> memref<1x32xi32, #tpu.memory_space<vmem>>
      %dma_start3A_95 = tpu.memref_squeeze %dma_start3A_94 : memref<1x32xi32, #tpu.memory_space<vmem>> -> memref<32xi32, #tpu.memory_space<vmem>>
      %dma_start3A_96 = arith.constant 0 : i32
      %dma_start3A_97 = arith.constant 0 : i32
      %dma_start3A_98 = tpu.memref_slice %arg2[%dma_start3A_96, %dma_start3A_97] : memref<50000x128xf32, #tpu.memory_space<hbm>> -> memref<50000x128xf32, #tpu.memory_space<hbm>>
      tpu.enqueue_indirect_dma source(%dma_start3A_98 : memref<50000x128xf32, #tpu.memory_space<hbm>>) target(%dma_start3A_92 : memref<32x128xf32, #tpu.memory_space<vmem>>) offsets(%dma_start3A_95 : memref<32xi32, #tpu.memory_space<vmem>>) semaphore(%arg8 : memref<!tpu.dma_semaphore, #tpu.memory_space<semaphore_mem>>)
      %dma_start3A_99 = arith.constant 8 : i32
      %dma_start3A_100 = arith.constant 256 : i32
      %dma_start3A_101 = arith.constant 0 : i32
      %dma_start3A_102 = tpu.memref_slice %arg6[%dma_start3A_100, %dma_start3A_101] : memref<320x128xf32, #tpu.memory_space<vmem>> -> memref<32x128xf32, #tpu.memory_space<vmem>>
      %dma_start3A_103 = arith.constant 0 : i32
      %dma_start3A_104 = tpu.memref_slice %arg5[%dma_start3A_99, %dma_start3A_103] : memref<10x32xi32, #tpu.memory_space<vmem>> -> memref<1x32xi32, #tpu.memory_space<vmem>>
      %dma_start3A_105 = tpu.memref_squeeze %dma_start3A_104 : memref<1x32xi32, #tpu.memory_space<vmem>> -> memref<32xi32, #tpu.memory_space<vmem>>
      %dma_start3A_106 = arith.constant 0 : i32
      %dma_start3A_107 = arith.constant 0 : i32
      %dma_start3A_108 = tpu.memref_slice %arg2[%dma_start3A_106, %dma_start3A_107] : memref<50000x128xf32, #tpu.memory_space<hbm>> -> memref<50000x128xf32, #tpu.memory_space<hbm>>
      tpu.enqueue_indirect_dma source(%dma_start3A_108 : memref<50000x128xf32, #tpu.memory_space<hbm>>) target(%dma_start3A_102 : memref<32x128xf32, #tpu.memory_space<vmem>>) offsets(%dma_start3A_105 : memref<32xi32, #tpu.memory_space<vmem>>) semaphore(%arg8 : memref<!tpu.dma_semaphore, #tpu.memory_space<semaphore_mem>>)
      %dma_start3A_109 = arith.constant 9 : i32
      %dma_start3A_110 = arith.constant 288 : i32
      %dma_start3A_111 = arith.constant 0 : i32
      %dma_start3A_112 = tpu.memref_slice %arg6[%dma_start3A_110, %dma_start3A_111] : memref<320x128xf32, #tpu.memory_space<vmem>> -> memref<32x128xf32, #tpu.memory_space<vmem>>
      %dma_start3A_113 = arith.constant 0 : i32
      %dma_start3A_114 = tpu.memref_slice %arg5[%dma_start3A_109, %dma_start3A_113] : memref<10x32xi32, #tpu.memory_space<vmem>> -> memref<1x32xi32, #tpu.memory_space<vmem>>
      %dma_start3A_115 = tpu.memref_squeeze %dma_start3A_114 : memref<1x32xi32, #tpu.memory_space<vmem>> -> memref<32xi32, #tpu.memory_space<vmem>>
      %dma_start3A_116 = arith.constant 0 : i32
      %dma_start3A_117 = arith.constant 0 : i32
      %dma_start3A_118 = tpu.memref_slice %arg2[%dma_start3A_116, %dma_start3A_117] : memref<50000x128xf32, #tpu.memory_space<hbm>> -> memref<50000x128xf32, #tpu.memory_space<hbm>>
      tpu.enqueue_indirect_dma source(%dma_start3A_118 : memref<50000x128xf32, #tpu.memory_space<hbm>>) target(%dma_start3A_112 : memref<32x128xf32, #tpu.memory_space<vmem>>) offsets(%dma_start3A_115 : memref<32xi32, #tpu.memory_space<vmem>>) semaphore(%arg8 : memref<!tpu.dma_semaphore, #tpu.memory_space<semaphore_mem>>)
      %dma_wait3A = arith.constant 0 : i32
      %dma_wait3A_119 = arith.constant 0 : i32
      %dma_wait3A_120 = arith.constant 0 : i32
      %dma_wait3A_121 = tpu.memref_slice %arg6[%dma_wait3A_119, %dma_wait3A_120] : memref<320x128xf32, #tpu.memory_space<vmem>> -> memref<32x128xf32, #tpu.memory_space<vmem>>
      %dma_wait3A_122 = arith.constant 0 : i32
      %dma_wait3A_123 = tpu.memref_slice %arg5[%dma_wait3A, %dma_wait3A_122] : memref<10x32xi32, #tpu.memory_space<vmem>> -> memref<1x32xi32, #tpu.memory_space<vmem>>
      %dma_wait3A_124 = tpu.memref_squeeze %dma_wait3A_123 : memref<1x32xi32, #tpu.memory_space<vmem>> -> memref<32xi32, #tpu.memory_space<vmem>>
      %dma_wait3A_125 = arith.constant 0 : i32
      %dma_wait3A_126 = arith.constant 0 : i32
      %dma_wait3A_127 = tpu.memref_slice %arg2[%dma_wait3A_125, %dma_wait3A_126] : memref<50000x128xf32, #tpu.memory_space<hbm>> -> memref<50000x128xf32, #tpu.memory_space<hbm>>
      tpu.wait_indirect_dma semaphore(%arg8 : memref<!tpu.dma_semaphore, #tpu.memory_space<semaphore_mem>>) src(%dma_wait3A_127 : memref<50000x128xf32, #tpu.memory_space<hbm>>) dst(%dma_wait3A_121 : memref<32x128xf32, #tpu.memory_space<vmem>>)
      %dma_wait3A_128 = arith.constant 1 : i32
      %dma_wait3A_129 = arith.constant 32 : i32
      %dma_wait3A_130 = arith.constant 0 : i32
      %dma_wait3A_131 = tpu.memref_slice %arg6[%dma_wait3A_129, %dma_wait3A_130] : memref<320x128xf32, #tpu.memory_space<vmem>> -> memref<32x128xf32, #tpu.memory_space<vmem>>
      %dma_wait3A_132 = arith.constant 0 : i32
      %dma_wait3A_133 = tpu.memref_slice %arg5[%dma_wait3A_128, %dma_wait3A_132] : memref<10x32xi32, #tpu.memory_space<vmem>> -> memref<1x32xi32, #tpu.memory_space<vmem>>
      %dma_wait3A_134 = tpu.memref_squeeze %dma_wait3A_133 : memref<1x32xi32, #tpu.memory_space<vmem>> -> memref<32xi32, #tpu.memory_space<vmem>>
      %dma_wait3A_135 = arith.constant 0 : i32
      %dma_wait3A_136 = arith.constant 0 : i32
      %dma_wait3A_137 = tpu.memref_slice %arg2[%dma_wait3A_135, %dma_wait3A_136] : memref<50000x128xf32, #tpu.memory_space<hbm>> -> memref<50000x128xf32, #tpu.memory_space<hbm>>
      tpu.wait_indirect_dma semaphore(%arg8 : memref<!tpu.dma_semaphore, #tpu.memory_space<semaphore_mem>>) src(%dma_wait3A_137 : memref<50000x128xf32, #tpu.memory_space<hbm>>) dst(%dma_wait3A_131 : memref<32x128xf32, #tpu.memory_space<vmem>>)
      %dma_wait3A_138 = arith.constant 2 : i32
      %dma_wait3A_139 = arith.constant 64 : i32
      %dma_wait3A_140 = arith.constant 0 : i32
      %dma_wait3A_141 = tpu.memref_slice %arg6[%dma_wait3A_139, %dma_wait3A_140] : memref<320x128xf32, #tpu.memory_space<vmem>> -> memref<32x128xf32, #tpu.memory_space<vmem>>
      %dma_wait3A_142 = arith.constant 0 : i32
      %dma_wait3A_143 = tpu.memref_slice %arg5[%dma_wait3A_138, %dma_wait3A_142] : memref<10x32xi32, #tpu.memory_space<vmem>> -> memref<1x32xi32, #tpu.memory_space<vmem>>
      %dma_wait3A_144 = tpu.memref_squeeze %dma_wait3A_143 : memref<1x32xi32, #tpu.memory_space<vmem>> -> memref<32xi32, #tpu.memory_space<vmem>>
      %dma_wait3A_145 = arith.constant 0 : i32
      %dma_wait3A_146 = arith.constant 0 : i32
      %dma_wait3A_147 = tpu.memref_slice %arg2[%dma_wait3A_145, %dma_wait3A_146] : memref<50000x128xf32, #tpu.memory_space<hbm>> -> memref<50000x128xf32, #tpu.memory_space<hbm>>
      tpu.wait_indirect_dma semaphore(%arg8 : memref<!tpu.dma_semaphore, #tpu.memory_space<semaphore_mem>>) src(%dma_wait3A_147 : memref<50000x128xf32, #tpu.memory_space<hbm>>) dst(%dma_wait3A_141 : memref<32x128xf32, #tpu.memory_space<vmem>>)
      %dma_wait3A_148 = arith.constant 3 : i32
      %dma_wait3A_149 = arith.constant 96 : i32
      %dma_wait3A_150 = arith.constant 0 : i32
      %dma_wait3A_151 = tpu.memref_slice %arg6[%dma_wait3A_149, %dma_wait3A_150] : memref<320x128xf32, #tpu.memory_space<vmem>> -> memref<32x128xf32, #tpu.memory_space<vmem>>
      %dma_wait3A_152 = arith.constant 0 : i32
      %dma_wait3A_153 = tpu.memref_slice %arg5[%dma_wait3A_148, %dma_wait3A_152] : memref<10x32xi32, #tpu.memory_space<vmem>> -> memref<1x32xi32, #tpu.memory_space<vmem>>
      %dma_wait3A_154 = tpu.memref_squeeze %dma_wait3A_153 : memref<1x32xi32, #tpu.memory_space<vmem>> -> memref<32xi32, #tpu.memory_space<vmem>>
      %dma_wait3A_155 = arith.constant 0 : i32
      %dma_wait3A_156 = arith.constant 0 : i32
      %dma_wait3A_157 = tpu.memref_slice %arg2[%dma_wait3A_155, %dma_wait3A_156] : memref<50000x128xf32, #tpu.memory_space<hbm>> -> memref<50000x128xf32, #tpu.memory_space<hbm>>
      tpu.wait_indirect_dma semaphore(%arg8 : memref<!tpu.dma_semaphore, #tpu.memory_space<semaphore_mem>>) src(%dma_wait3A_157 : memref<50000x128xf32, #tpu.memory_space<hbm>>) dst(%dma_wait3A_151 : memref<32x128xf32, #tpu.memory_space<vmem>>)
      %dma_wait3A_158 = arith.constant 4 : i32
      %dma_wait3A_159 = arith.constant 128 : i32
      %dma_wait3A_160 = arith.constant 0 : i32
      %dma_wait3A_161 = tpu.memref_slice %arg6[%dma_wait3A_159, %dma_wait3A_160] : memref<320x128xf32, #tpu.memory_space<vmem>> -> memref<32x128xf32, #tpu.memory_space<vmem>>
      %dma_wait3A_162 = arith.constant 0 : i32
      %dma_wait3A_163 = tpu.memref_slice %arg5[%dma_wait3A_158, %dma_wait3A_162] : memref<10x32xi32, #tpu.memory_space<vmem>> -> memref<1x32xi32, #tpu.memory_space<vmem>>
      %dma_wait3A_164 = tpu.memref_squeeze %dma_wait3A_163 : memref<1x32xi32, #tpu.memory_space<vmem>> -> memref<32xi32, #tpu.memory_space<vmem>>
      %dma_wait3A_165 = arith.constant 0 : i32
      %dma_wait3A_166 = arith.constant 0 : i32
      %dma_wait3A_167 = tpu.memref_slice %arg2[%dma_wait3A_165, %dma_wait3A_166] : memref<50000x128xf32, #tpu.memory_space<hbm>> -> memref<50000x128xf32, #tpu.memory_space<hbm>>
      tpu.wait_indirect_dma semaphore(%arg8 : memref<!tpu.dma_semaphore, #tpu.memory_space<semaphore_mem>>) src(%dma_wait3A_167 : memref<50000x128xf32, #tpu.memory_space<hbm>>) dst(%dma_wait3A_161 : memref<32x128xf32, #tpu.memory_space<vmem>>)
      %dma_wait3A_168 = arith.constant 5 : i32
      %dma_wait3A_169 = arith.constant 160 : i32
      %dma_wait3A_170 = arith.constant 0 : i32
      %dma_wait3A_171 = tpu.memref_slice %arg6[%dma_wait3A_169, %dma_wait3A_170] : memref<320x128xf32, #tpu.memory_space<vmem>> -> memref<32x128xf32, #tpu.memory_space<vmem>>
      %dma_wait3A_172 = arith.constant 0 : i32
      %dma_wait3A_173 = tpu.memref_slice %arg5[%dma_wait3A_168, %dma_wait3A_172] : memref<10x32xi32, #tpu.memory_space<vmem>> -> memref<1x32xi32, #tpu.memory_space<vmem>>
      %dma_wait3A_174 = tpu.memref_squeeze %dma_wait3A_173 : memref<1x32xi32, #tpu.memory_space<vmem>> -> memref<32xi32, #tpu.memory_space<vmem>>
      %dma_wait3A_175 = arith.constant 0 : i32
      %dma_wait3A_176 = arith.constant 0 : i32
      %dma_wait3A_177 = tpu.memref_slice %arg2[%dma_wait3A_175, %dma_wait3A_176] : memref<50000x128xf32, #tpu.memory_space<hbm>> -> memref<50000x128xf32, #tpu.memory_space<hbm>>
      tpu.wait_indirect_dma semaphore(%arg8 : memref<!tpu.dma_semaphore, #tpu.memory_space<semaphore_mem>>) src(%dma_wait3A_177 : memref<50000x128xf32, #tpu.memory_space<hbm>>) dst(%dma_wait3A_171 : memref<32x128xf32, #tpu.memory_space<vmem>>)
      %dma_wait3A_178 = arith.constant 6 : i32
      %dma_wait3A_179 = arith.constant 192 : i32
      %dma_wait3A_180 = arith.constant 0 : i32
      %dma_wait3A_181 = tpu.memref_slice %arg6[%dma_wait3A_179, %dma_wait3A_180] : memref<320x128xf32, #tpu.memory_space<vmem>> -> memref<32x128xf32, #tpu.memory_space<vmem>>
      %dma_wait3A_182 = arith.constant 0 : i32
      %dma_wait3A_183 = tpu.memref_slice %arg5[%dma_wait3A_178, %dma_wait3A_182] : memref<10x32xi32, #tpu.memory_space<vmem>> -> memref<1x32xi32, #tpu.memory_space<vmem>>
      %dma_wait3A_184 = tpu.memref_squeeze %dma_wait3A_183 : memref<1x32xi32, #tpu.memory_space<vmem>> -> memref<32xi32, #tpu.memory_space<vmem>>
      %dma_wait3A_185 = arith.constant 0 : i32
      %dma_wait3A_186 = arith.constant 0 : i32
      %dma_wait3A_187 = tpu.memref_slice %arg2[%dma_wait3A_185, %dma_wait3A_186] : memref<50000x128xf32, #tpu.memory_space<hbm>> -> memref<50000x128xf32, #tpu.memory_space<hbm>>
      tpu.wait_indirect_dma semaphore(%arg8 : memref<!tpu.dma_semaphore, #tpu.memory_space<semaphore_mem>>) src(%dma_wait3A_187 : memref<50000x128xf32, #tpu.memory_space<hbm>>) dst(%dma_wait3A_181 : memref<32x128xf32, #tpu.memory_space<vmem>>)
      %dma_wait3A_188 = arith.constant 7 : i32
      %dma_wait3A_189 = arith.constant 224 : i32
      %dma_wait3A_190 = arith.constant 0 : i32
      %dma_wait3A_191 = tpu.memref_slice %arg6[%dma_wait3A_189, %dma_wait3A_190] : memref<320x128xf32, #tpu.memory_space<vmem>> -> memref<32x128xf32, #tpu.memory_space<vmem>>
      %dma_wait3A_192 = arith.constant 0 : i32
      %dma_wait3A_193 = tpu.memref_slice %arg5[%dma_wait3A_188, %dma_wait3A_192] : memref<10x32xi32, #tpu.memory_space<vmem>> -> memref<1x32xi32, #tpu.memory_space<vmem>>
      %dma_wait3A_194 = tpu.memref_squeeze %dma_wait3A_193 : memref<1x32xi32, #tpu.memory_space<vmem>> -> memref<32xi32, #tpu.memory_space<vmem>>
      %dma_wait3A_195 = arith.constant 0 : i32
      %dma_wait3A_196 = arith.constant 0 : i32
      %dma_wait3A_197 = tpu.memref_slice %arg2[%dma_wait3A_195, %dma_wait3A_196] : memref<50000x128xf32, #tpu.memory_space<hbm>> -> memref<50000x128xf32, #tpu.memory_space<hbm>>
      tpu.wait_indirect_dma semaphore(%arg8 : memref<!tpu.dma_semaphore, #tpu.memory_space<semaphore_mem>>) src(%dma_wait3A_197 : memref<50000x128xf32, #tpu.memory_space<hbm>>) dst(%dma_wait3A_191 : memref<32x128xf32, #tpu.memory_space<vmem>>)
      %dma_wait3A_198 = arith.constant 8 : i32
      %dma_wait3A_199 = arith.constant 256 : i32
      %dma_wait3A_200 = arith.constant 0 : i32
      %dma_wait3A_201 = tpu.memref_slice %arg6[%dma_wait3A_199, %dma_wait3A_200] : memref<320x128xf32, #tpu.memory_space<vmem>> -> memref<32x128xf32, #tpu.memory_space<vmem>>
      %dma_wait3A_202 = arith.constant 0 : i32
      %dma_wait3A_203 = tpu.memref_slice %arg5[%dma_wait3A_198, %dma_wait3A_202] : memref<10x32xi32, #tpu.memory_space<vmem>> -> memref<1x32xi32, #tpu.memory_space<vmem>>
      %dma_wait3A_204 = tpu.memref_squeeze %dma_wait3A_203 : memref<1x32xi32, #tpu.memory_space<vmem>> -> memref<32xi32, #tpu.memory_space<vmem>>
      %dma_wait3A_205 = arith.constant 0 : i32
      %dma_wait3A_206 = arith.constant 0 : i32
      %dma_wait3A_207 = tpu.memref_slice %arg2[%dma_wait3A_205, %dma_wait3A_206] : memref<50000x128xf32, #tpu.memory_space<hbm>> -> memref<50000x128xf32, #tpu.memory_space<hbm>>
      tpu.wait_indirect_dma semaphore(%arg8 : memref<!tpu.dma_semaphore, #tpu.memory_space<semaphore_mem>>) src(%dma_wait3A_207 : memref<50000x128xf32, #tpu.memory_space<hbm>>) dst(%dma_wait3A_201 : memref<32x128xf32, #tpu.memory_space<vmem>>)
      %dma_wait3A_208 = arith.constant 9 : i32
      %dma_wait3A_209 = arith.constant 288 : i32
      %dma_wait3A_210 = arith.constant 0 : i32
      %dma_wait3A_211 = tpu.memref_slice %arg6[%dma_wait3A_209, %dma_wait3A_210] : memref<320x128xf32, #tpu.memory_space<vmem>> -> memref<32x128xf32, #tpu.memory_space<vmem>>
      %dma_wait3A_212 = arith.constant 0 : i32
      %dma_wait3A_213 = tpu.memref_slice %arg5[%dma_wait3A_208, %dma_wait3A_212] : memref<10x32xi32, #tpu.memory_space<vmem>> -> memref<1x32xi32, #tpu.memory_space<vmem>>
      %dma_wait3A_214 = tpu.memref_squeeze %dma_wait3A_213 : memref<1x32xi32, #tpu.memory_space<vmem>> -> memref<32xi32, #tpu.memory_space<vmem>>
      %dma_wait3A_215 = arith.constant 0 : i32
      %dma_wait3A_216 = arith.constant 0 : i32
      %dma_wait3A_217 = tpu.memref_slice %arg2[%dma_wait3A_215, %dma_wait3A_216] : memref<50000x128xf32, #tpu.memory_space<hbm>> -> memref<50000x128xf32, #tpu.memory_space<hbm>>
      tpu.wait_indirect_dma semaphore(%arg8 : memref<!tpu.dma_semaphore, #tpu.memory_space<semaphore_mem>>) src(%dma_wait3A_217 : memref<50000x128xf32, #tpu.memory_space<hbm>>) dst(%dma_wait3A_211 : memref<32x128xf32, #tpu.memory_space<vmem>>)
      %scan3A = arith.constant 0 : i32
      %scan3A_218 = arith.constant 0 : i32
      %scan3A_219 = arith.constant 32 : i32
      %scan3A_220 = arith.addi %scan3A_218, %scan3A_219 : i32
      %scan3A_221 = arith.constant 1 : i32
      scf.for %scan3A_225 = %scan3A_218 to %scan3A_220 step %scan3A_221  : i32 {
        %get3A = arith.index_cast %scan3A_225 : i32 to index
        %get3A_226 = arith.constant 0 : index
        %get3A_227 = tpu.vector_load %arg6[%get3A, %get3A_226] {strides = array<i32>} : memref<320x128xf32, #tpu.memory_space<vmem>>, vector<1x16xf32>,
        %get3A_228 = vector.shape_cast %get3A_227 : vector<1x16xf32> to vector<16xf32>
        %add3A_229 = arith.constant 32 : i32
        %add3A_230 = arith.addi %add3A_229, %scan3A_225 : i32
        %get3A_231 = arith.index_cast %add3A_230 : i32 to index
        %get3A_232 = arith.constant 0 : index
        %get3A_233 = tpu.vector_load %arg6[%get3A_231, %get3A_232] {strides = array<i32>} : memref<320x128xf32, #tpu.memory_space<vmem>>, vector<1x16xf32>,
        %get3A_234 = vector.shape_cast %get3A_233 : vector<1x16xf32> to vector<16xf32>
        %max3A = arith.maximumf %get3A_228, %get3A_234 : vector<16xf32>
        %add3A_235 = arith.constant 64 : i32
        %add3A_236 = arith.addi %add3A_235, %scan3A_225 : i32
        %get3A_237 = arith.index_cast %add3A_236 : i32 to index
        %get3A_238 = arith.constant 0 : index
        %get3A_239 = tpu.vector_load %arg6[%get3A_237, %get3A_238] {strides = array<i32>} : memref<320x128xf32, #tpu.memory_space<vmem>>, vector<1x16xf32>,
        %get3A_240 = vector.shape_cast %get3A_239 : vector<1x16xf32> to vector<16xf32>
        %max3A_241 = arith.maximumf %max3A, %get3A_240 : vector<16xf32>
        %add3A_242 = arith.constant 96 : i32
        %add3A_243 = arith.addi %add3A_242, %scan3A_225 : i32
        %get3A_244 = arith.index_cast %add3A_243 : i32 to index
        %get3A_245 = arith.constant 0 : index
        %get3A_246 = tpu.vector_load %arg6[%get3A_244, %get3A_245] {strides = array<i32>} : memref<320x128xf32, #tpu.memory_space<vmem>>, vector<1x16xf32>,
        %get3A_247 = vector.shape_cast %get3A_246 : vector<1x16xf32> to vector<16xf32>
        %max3A_248 = arith.maximumf %max3A_241, %get3A_247 : vector<16xf32>
        %add3A_249 = arith.constant 128 : i32
        %add3A_250 = arith.addi %add3A_249, %scan3A_225 : i32
        %get3A_251 = arith.index_cast %add3A_250 : i32 to index
        %get3A_252 = arith.constant 0 : index
        %get3A_253 = tpu.vector_load %arg6[%get3A_251, %get3A_252] {strides = array<i32>} : memref<320x128xf32, #tpu.memory_space<vmem>>, vector<1x16xf32>,
        %get3A_254 = vector.shape_cast %get3A_253 : vector<1x16xf32> to vector<16xf32>
        %max3A_255 = arith.maximumf %max3A_248, %get3A_254 : vector<16xf32>
        %add3A_256 = arith.constant 160 : i32
        %add3A_257 = arith.addi %add3A_256, %scan3A_225 : i32
        %get3A_258 = arith.index_cast %add3A_257 : i32 to index
        %get3A_259 = arith.constant 0 : index
        %get3A_260 = tpu.vector_load %arg6[%get3A_258, %get3A_259] {strides = array<i32>} : memref<320x128xf32, #tpu.memory_space<vmem>>, vector<1x16xf32>,
        %get3A_261 = vector.shape_cast %get3A_260 : vector<1x16xf32> to vector<16xf32>
        %max3A_262 = arith.maximumf %max3A_255, %get3A_261 : vector<16xf32>
        %add3A_263 = arith.constant 192 : i32
        %add3A_264 = arith.addi %add3A_263, %scan3A_225 : i32
        %get3A_265 = arith.index_cast %add3A_264 : i32 to index
        %get3A_266 = arith.constant 0 : index
        %get3A_267 = tpu.vector_load %arg6[%get3A_265, %get3A_266] {strides = array<i32>} : memref<320x128xf32, #tpu.memory_space<vmem>>, vector<1x16xf32>,
        %get3A_268 = vector.shape_cast %get3A_267 : vector<1x16xf32> to vector<16xf32>
        %max3A_269 = arith.maximumf %max3A_262, %get3A_268 : vector<16xf32>
        %add3A_270 = arith.constant 224 : i32
        %add3A_271 = arith.addi %add3A_270, %scan3A_225 : i32
        %get3A_272 = arith.index_cast %add3A_271 : i32 to index
        %get3A_273 = arith.constant 0 : index
        %get3A_274 = tpu.vector_load %arg6[%get3A_272, %get3A_273] {strides = array<i32>} : memref<320x128xf32, #tpu.memory_space<vmem>>, vector<1x16xf32>,
        %get3A_275 = vector.shape_cast %get3A_274 : vector<1x16xf32> to vector<16xf32>
        %max3A_276 = arith.maximumf %max3A_269, %get3A_275 : vector<16xf32>
        %add3A_277 = arith.constant 256 : i32
        %add3A_278 = arith.addi %add3A_277, %scan3A_225 : i32
        %get3A_279 = arith.index_cast %add3A_278 : i32 to index
        %get3A_280 = arith.constant 0 : index
        %get3A_281 = tpu.vector_load %arg6[%get3A_279, %get3A_280] {strides = array<i32>} : memref<320x128xf32, #tpu.memory_space<vmem>>, vector<1x16xf32>,
        %get3A_282 = vector.shape_cast %get3A_281 : vector<1x16xf32> to vector<16xf32>
        %max3A_283 = arith.maximumf %max3A_276, %get3A_282 : vector<16xf32>
        %add3A_284 = arith.constant 288 : i32
        %add3A_285 = arith.addi %add3A_284, %scan3A_225 : i32
        %get3A_286 = arith.index_cast %add3A_285 : i32 to index
        %get3A_287 = arith.constant 0 : index
        %get3A_288 = tpu.vector_load %arg6[%get3A_286, %get3A_287] {strides = array<i32>} : memref<320x128xf32, #tpu.memory_space<vmem>>, vector<1x16xf32>,
        %get3A_289 = vector.shape_cast %get3A_288 : vector<1x16xf32> to vector<16xf32>
        %max3A_290 = arith.maximumf %max3A_283, %get3A_289 : vector<16xf32>
        %swap3A = arith.index_cast %scan3A_225 : i32 to index
        %swap3A_291 = arith.constant 0 : index
        %swap3A_292 = tpu.vector_load %arg7[%swap3A, %swap3A_291] {strides = array<i32>} : memref<32x128xf32, #tpu.memory_space<vmem>>, vector<1x16xf32>,
        %swap3A_293 = vector.shape_cast %swap3A_292 : vector<1x16xf32> to vector<16xf32>
        %swap3A_294 = vector.shape_cast %max3A_290 : vector<16xf32> to vector<1x16xf32>
        tpu.vector_store %arg7[%swap3A, %swap3A_291], %swap3A_294 {strides = array<i32>} : memref<32x128xf32, #tpu.memory_space<vmem>>, vector<1x16xf32>,
        %get3A_295 = arith.index_cast %scan3A_225 : i32 to index
        %get3A_296 = arith.constant 16 : index
        %get3A_297 = tpu.vector_load %arg6[%get3A_295, %get3A_296] {strides = array<i32>} : memref<320x128xf32, #tpu.memory_space<vmem>>, vector<1x16xf32>,
        %get3A_298 = vector.shape_cast %get3A_297 : vector<1x16xf32> to vector<16xf32>
        %add3A_299 = arith.constant 32 : i32
        %add3A_300 = arith.addi %add3A_299, %scan3A_225 : i32
        %get3A_301 = arith.index_cast %add3A_300 : i32 to index
        %get3A_302 = arith.constant 16 : index
        %get3A_303 = tpu.vector_load %arg6[%get3A_301, %get3A_302] {strides = array<i32>} : memref<320x128xf32, #tpu.memory_space<vmem>>, vector<1x16xf32>,
        %get3A_304 = vector.shape_cast %get3A_303 : vector<1x16xf32> to vector<16xf32>
        %max3A_305 = arith.maximumf %get3A_298, %get3A_304 : vector<16xf32>
        %add3A_306 = arith.constant 64 : i32
        %add3A_307 = arith.addi %add3A_306, %scan3A_225 : i32
        %get3A_308 = arith.index_cast %add3A_307 : i32 to index
        %get3A_309 = arith.constant 16 : index
        %get3A_310 = tpu.vector_load %arg6[%get3A_308, %get3A_309] {strides = array<i32>} : memref<320x128xf32, #tpu.memory_space<vmem>>, vector<1x16xf32>,
        %get3A_311 = vector.shape_cast %get3A_310 : vector<1x16xf32> to vector<16xf32>
        %max3A_312 = arith.maximumf %max3A_305, %get3A_311 : vector<16xf32>
        %add3A_313 = arith.constant 96 : i32
        %add3A_314 = arith.addi %add3A_313, %scan3A_225 : i32
        %get3A_315 = arith.index_cast %add3A_314 : i32 to index
        %get3A_316 = arith.constant 16 : index
        %get3A_317 = tpu.vector_load %arg6[%get3A_315, %get3A_316] {strides = array<i32>} : memref<320x128xf32, #tpu.memory_space<vmem>>, vector<1x16xf32>,
        %get3A_318 = vector.shape_cast %get3A_317 : vector<1x16xf32> to vector<16xf32>
        %max3A_319 = arith.maximumf %max3A_312, %get3A_318 : vector<16xf32>
        %add3A_320 = arith.constant 128 : i32
        %add3A_321 = arith.addi %add3A_320, %scan3A_225 : i32
        %get3A_322 = arith.index_cast %add3A_321 : i32 to index
        %get3A_323 = arith.constant 16 : index
        %get3A_324 = tpu.vector_load %arg6[%get3A_322, %get3A_323] {strides = array<i32>} : memref<320x128xf32, #tpu.memory_space<vmem>>, vector<1x16xf32>,
        %get3A_325 = vector.shape_cast %get3A_324 : vector<1x16xf32> to vector<16xf32>
        %max3A_326 = arith.maximumf %max3A_319, %get3A_325 : vector<16xf32>
        %add3A_327 = arith.constant 160 : i32
        %add3A_328 = arith.addi %add3A_327, %scan3A_225 : i32
        %get3A_329 = arith.index_cast %add3A_328 : i32 to index
        %get3A_330 = arith.constant 16 : index
        %get3A_331 = tpu.vector_load %arg6[%get3A_329, %get3A_330] {strides = array<i32>} : memref<320x128xf32, #tpu.memory_space<vmem>>, vector<1x16xf32>,
        %get3A_332 = vector.shape_cast %get3A_331 : vector<1x16xf32> to vector<16xf32>
        %max3A_333 = arith.maximumf %max3A_326, %get3A_332 : vector<16xf32>
        %add3A_334 = arith.constant 192 : i32
        %add3A_335 = arith.addi %add3A_334, %scan3A_225 : i32
        %get3A_336 = arith.index_cast %add3A_335 : i32 to index
        %get3A_337 = arith.constant 16 : index
        %get3A_338 = tpu.vector_load %arg6[%get3A_336, %get3A_337] {strides = array<i32>} : memref<320x128xf32, #tpu.memory_space<vmem>>, vector<1x16xf32>,
        %get3A_339 = vector.shape_cast %get3A_338 : vector<1x16xf32> to vector<16xf32>
        %max3A_340 = arith.maximumf %max3A_333, %get3A_339 : vector<16xf32>
        %add3A_341 = arith.constant 224 : i32
        %add3A_342 = arith.addi %add3A_341, %scan3A_225 : i32
        %get3A_343 = arith.index_cast %add3A_342 : i32 to index
        %get3A_344 = arith.constant 16 : index
        %get3A_345 = tpu.vector_load %arg6[%get3A_343, %get3A_344] {strides = array<i32>} : memref<320x128xf32, #tpu.memory_space<vmem>>, vector<1x16xf32>,
        %get3A_346 = vector.shape_cast %get3A_345 : vector<1x16xf32> to vector<16xf32>
        %max3A_347 = arith.maximumf %max3A_340, %get3A_346 : vector<16xf32>
        %add3A_348 = arith.constant 256 : i32
        %add3A_349 = arith.addi %add3A_348, %scan3A_225 : i32
        %get3A_350 = arith.index_cast %add3A_349 : i32 to index
        %get3A_351 = arith.constant 16 : index
        %get3A_352 = tpu.vector_load %arg6[%get3A_350, %get3A_351] {strides = array<i32>} : memref<320x128xf32, #tpu.memory_space<vmem>>, vector<1x16xf32>,
        %get3A_353 = vector.shape_cast %get3A_352 : vector<1x16xf32> to vector<16xf32>
        %max3A_354 = arith.maximumf %max3A_347, %get3A_353 : vector<16xf32>
        %add3A_355 = arith.constant 288 : i32
        %add3A_356 = arith.addi %add3A_355, %scan3A_225 : i32
        %get3A_357 = arith.index_cast %add3A_356 : i32 to index
        %get3A_358 = arith.constant 16 : index
        %get3A_359 = tpu.vector_load %arg6[%get3A_357, %get3A_358] {strides = array<i32>} : memref<320x128xf32, #tpu.memory_space<vmem>>, vector<1x16xf32>,
        %get3A_360 = vector.shape_cast %get3A_359 : vector<1x16xf32> to vector<16xf32>
        %max3A_361 = arith.maximumf %max3A_354, %get3A_360 : vector<16xf32>
        %swap3A_362 = arith.index_cast %scan3A_225 : i32 to index
        %swap3A_363 = arith.constant 16 : index
        %swap3A_364 = tpu.vector_load %arg7[%swap3A_362, %swap3A_363] {strides = array<i32>} : memref<32x128xf32, #tpu.memory_space<vmem>>, vector<1x16xf32>,
        %swap3A_365 = vector.shape_cast %swap3A_364 : vector<1x16xf32> to vector<16xf32>
        %swap3A_366 = vector.shape_cast %max3A_361 : vector<16xf32> to vector<1x16xf32>
        tpu.vector_store %arg7[%swap3A_362, %swap3A_363], %swap3A_366 {strides = array<i32>} : memref<32x128xf32, #tpu.memory_space<vmem>>, vector<1x16xf32>,
        %get3A_367 = arith.index_cast %scan3A_225 : i32 to index
        %get3A_368 = arith.constant 32 : index
        %get3A_369 = tpu.vector_load %arg6[%get3A_367, %get3A_368] {strides = array<i32>} : memref<320x128xf32, #tpu.memory_space<vmem>>, vector<1x16xf32>,
        %get3A_370 = vector.shape_cast %get3A_369 : vector<1x16xf32> to vector<16xf32>
        %add3A_371 = arith.constant 32 : i32
        %add3A_372 = arith.addi %add3A_371, %scan3A_225 : i32
        %get3A_373 = arith.index_cast %add3A_372 : i32 to index
        %get3A_374 = arith.constant 32 : index
        %get3A_375 = tpu.vector_load %arg6[%get3A_373, %get3A_374] {strides = array<i32>} : memref<320x128xf32, #tpu.memory_space<vmem>>, vector<1x16xf32>,
        %get3A_376 = vector.shape_cast %get3A_375 : vector<1x16xf32> to vector<16xf32>
        %max3A_377 = arith.maximumf %get3A_370, %get3A_376 : vector<16xf32>
        %add3A_378 = arith.constant 64 : i32
        %add3A_379 = arith.addi %add3A_378, %scan3A_225 : i32
        %get3A_380 = arith.index_cast %add3A_379 : i32 to index
        %get3A_381 = arith.constant 32 : index
        %get3A_382 = tpu.vector_load %arg6[%get3A_380, %get3A_381] {strides = array<i32>} : memref<320x128xf32, #tpu.memory_space<vmem>>, vector<1x16xf32>,
        %get3A_383 = vector.shape_cast %get3A_382 : vector<1x16xf32> to vector<16xf32>
        %max3A_384 = arith.maximumf %max3A_377, %get3A_383 : vector<16xf32>
        %add3A_385 = arith.constant 96 : i32
        %add3A_386 = arith.addi %add3A_385, %scan3A_225 : i32
        %get3A_387 = arith.index_cast %add3A_386 : i32 to index
        %get3A_388 = arith.constant 32 : index
        %get3A_389 = tpu.vector_load %arg6[%get3A_387, %get3A_388] {strides = array<i32>} : memref<320x128xf32, #tpu.memory_space<vmem>>, vector<1x16xf32>,
        %get3A_390 = vector.shape_cast %get3A_389 : vector<1x16xf32> to vector<16xf32>
        %max3A_391 = arith.maximumf %max3A_384, %get3A_390 : vector<16xf32>
        %add3A_392 = arith.constant 128 : i32
        %add3A_393 = arith.addi %add3A_392, %scan3A_225 : i32
        %get3A_394 = arith.index_cast %add3A_393 : i32 to index
        %get3A_395 = arith.constant 32 : index
        %get3A_396 = tpu.vector_load %arg6[%get3A_394, %get3A_395] {strides = array<i32>} : memref<320x128xf32, #tpu.memory_space<vmem>>, vector<1x16xf32>,
        %get3A_397 = vector.shape_cast %get3A_396 : vector<1x16xf32> to vector<16xf32>
        %max3A_398 = arith.maximumf %max3A_391, %get3A_397 : vector<16xf32>
        %add3A_399 = arith.constant 160 : i32
        %add3A_400 = arith.addi %add3A_399, %scan3A_225 : i32
        %get3A_401 = arith.index_cast %add3A_400 : i32 to index
        %get3A_402 = arith.constant 32 : index
        %get3A_403 = tpu.vector_load %arg6[%get3A_401, %get3A_402] {strides = array<i32>} : memref<320x128xf32, #tpu.memory_space<vmem>>, vector<1x16xf32>,
        %get3A_404 = vector.shape_cast %get3A_403 : vector<1x16xf32> to vector<16xf32>
        %max3A_405 = arith.maximumf %max3A_398, %get3A_404 : vector<16xf32>
        %add3A_406 = arith.constant 192 : i32
        %add3A_407 = arith.addi %add3A_406, %scan3A_225 : i32
        %get3A_408 = arith.index_cast %add3A_407 : i32 to index
        %get3A_409 = arith.constant 32 : index
        %get3A_410 = tpu.vector_load %arg6[%get3A_408, %get3A_409] {strides = array<i32>} : memref<320x128xf32, #tpu.memory_space<vmem>>, vector<1x16xf32>,
        %get3A_411 = vector.shape_cast %get3A_410 : vector<1x16xf32> to vector<16xf32>
        %max3A_412 = arith.maximumf %max3A_405, %get3A_411 : vector<16xf32>
        %add3A_413 = arith.constant 224 : i32
        %add3A_414 = arith.addi %add3A_413, %scan3A_225 : i32
        %get3A_415 = arith.index_cast %add3A_414 : i32 to index
        %get3A_416 = arith.constant 32 : index
        %get3A_417 = tpu.vector_load %arg6[%get3A_415, %get3A_416] {strides = array<i32>} : memref<320x128xf32, #tpu.memory_space<vmem>>, vector<1x16xf32>,
        %get3A_418 = vector.shape_cast %get3A_417 : vector<1x16xf32> to vector<16xf32>
        %max3A_419 = arith.maximumf %max3A_412, %get3A_418 : vector<16xf32>
        %add3A_420 = arith.constant 256 : i32
        %add3A_421 = arith.addi %add3A_420, %scan3A_225 : i32
        %get3A_422 = arith.index_cast %add3A_421 : i32 to index
        %get3A_423 = arith.constant 32 : index
        %get3A_424 = tpu.vector_load %arg6[%get3A_422, %get3A_423] {strides = array<i32>} : memref<320x128xf32, #tpu.memory_space<vmem>>, vector<1x16xf32>,
        %get3A_425 = vector.shape_cast %get3A_424 : vector<1x16xf32> to vector<16xf32>
        %max3A_426 = arith.maximumf %max3A_419, %get3A_425 : vector<16xf32>
        %add3A_427 = arith.constant 288 : i32
        %add3A_428 = arith.addi %add3A_427, %scan3A_225 : i32
        %get3A_429 = arith.index_cast %add3A_428 : i32 to index
        %get3A_430 = arith.constant 32 : index
        %get3A_431 = tpu.vector_load %arg6[%get3A_429, %get3A_430] {strides = array<i32>} : memref<320x128xf32, #tpu.memory_space<vmem>>, vector<1x16xf32>,
        %get3A_432 = vector.shape_cast %get3A_431 : vector<1x16xf32> to vector<16xf32>
        %max3A_433 = arith.maximumf %max3A_426, %get3A_432 : vector<16xf32>
        %swap3A_434 = arith.index_cast %scan3A_225 : i32 to index
        %swap3A_435 = arith.constant 32 : index
        %swap3A_436 = tpu.vector_load %arg7[%swap3A_434, %swap3A_435] {strides = array<i32>} : memref<32x128xf32, #tpu.memory_space<vmem>>, vector<1x16xf32>,
        %swap3A_437 = vector.shape_cast %swap3A_436 : vector<1x16xf32> to vector<16xf32>
        %swap3A_438 = vector.shape_cast %max3A_433 : vector<16xf32> to vector<1x16xf32>
        tpu.vector_store %arg7[%swap3A_434, %swap3A_435], %swap3A_438 {strides = array<i32>} : memref<32x128xf32, #tpu.memory_space<vmem>>, vector<1x16xf32>,
        %get3A_439 = arith.index_cast %scan3A_225 : i32 to index
        %get3A_440 = arith.constant 48 : index
        %get3A_441 = tpu.vector_load %arg6[%get3A_439, %get3A_440] {strides = array<i32>} : memref<320x128xf32, #tpu.memory_space<vmem>>, vector<1x16xf32>,
        %get3A_442 = vector.shape_cast %get3A_441 : vector<1x16xf32> to vector<16xf32>
        %add3A_443 = arith.constant 32 : i32
        %add3A_444 = arith.addi %add3A_443, %scan3A_225 : i32
        %get3A_445 = arith.index_cast %add3A_444 : i32 to index
        %get3A_446 = arith.constant 48 : index
        %get3A_447 = tpu.vector_load %arg6[%get3A_445, %get3A_446] {strides = array<i32>} : memref<320x128xf32, #tpu.memory_space<vmem>>, vector<1x16xf32>,
        %get3A_448 = vector.shape_cast %get3A_447 : vector<1x16xf32> to vector<16xf32>
        %max3A_449 = arith.maximumf %get3A_442, %get3A_448 : vector<16xf32>
        %add3A_450 = arith.constant 64 : i32
        %add3A_451 = arith.addi %add3A_450, %scan3A_225 : i32
        %get3A_452 = arith.index_cast %add3A_451 : i32 to index
        %get3A_453 = arith.constant 48 : index
        %get3A_454 = tpu.vector_load %arg6[%get3A_452, %get3A_453] {strides = array<i32>} : memref<320x128xf32, #tpu.memory_space<vmem>>, vector<1x16xf32>,
        %get3A_455 = vector.shape_cast %get3A_454 : vector<1x16xf32> to vector<16xf32>
        %max3A_456 = arith.maximumf %max3A_449, %get3A_455 : vector<16xf32>
        %add3A_457 = arith.constant 96 : i32
        %add3A_458 = arith.addi %add3A_457, %scan3A_225 : i32
        %get3A_459 = arith.index_cast %add3A_458 : i32 to index
        %get3A_460 = arith.constant 48 : index
        %get3A_461 = tpu.vector_load %arg6[%get3A_459, %get3A_460] {strides = array<i32>} : memref<320x128xf32, #tpu.memory_space<vmem>>, vector<1x16xf32>,
        %get3A_462 = vector.shape_cast %get3A_461 : vector<1x16xf32> to vector<16xf32>
        %max3A_463 = arith.maximumf %max3A_456, %get3A_462 : vector<16xf32>
        %add3A_464 = arith.constant 128 : i32
        %add3A_465 = arith.addi %add3A_464, %scan3A_225 : i32
        %get3A_466 = arith.index_cast %add3A_465 : i32 to index
        %get3A_467 = arith.constant 48 : index
        %get3A_468 = tpu.vector_load %arg6[%get3A_466, %get3A_467] {strides = array<i32>} : memref<320x128xf32, #tpu.memory_space<vmem>>, vector<1x16xf32>,
        %get3A_469 = vector.shape_cast %get3A_468 : vector<1x16xf32> to vector<16xf32>
        %max3A_470 = arith.maximumf %max3A_463, %get3A_469 : vector<16xf32>
        %add3A_471 = arith.constant 160 : i32
        %add3A_472 = arith.addi %add3A_471, %scan3A_225 : i32
        %get3A_473 = arith.index_cast %add3A_472 : i32 to index
        %get3A_474 = arith.constant 48 : index
        %get3A_475 = tpu.vector_load %arg6[%get3A_473, %get3A_474] {strides = array<i32>} : memref<320x128xf32, #tpu.memory_space<vmem>>, vector<1x16xf32>,
        %get3A_476 = vector.shape_cast %get3A_475 : vector<1x16xf32> to vector<16xf32>
        %max3A_477 = arith.maximumf %max3A_470, %get3A_476 : vector<16xf32>
        %add3A_478 = arith.constant 192 : i32
        %add3A_479 = arith.addi %add3A_478, %scan3A_225 : i32
        %get3A_480 = arith.index_cast %add3A_479 : i32 to index
        %get3A_481 = arith.constant 48 : index
        %get3A_482 = tpu.vector_load %arg6[%get3A_480, %get3A_481] {strides = array<i32>} : memref<320x128xf32, #tpu.memory_space<vmem>>, vector<1x16xf32>,
        %get3A_483 = vector.shape_cast %get3A_482 : vector<1x16xf32> to vector<16xf32>
        %max3A_484 = arith.maximumf %max3A_477, %get3A_483 : vector<16xf32>
        %add3A_485 = arith.constant 224 : i32
        %add3A_486 = arith.addi %add3A_485, %scan3A_225 : i32
        %get3A_487 = arith.index_cast %add3A_486 : i32 to index
        %get3A_488 = arith.constant 48 : index
        %get3A_489 = tpu.vector_load %arg6[%get3A_487, %get3A_488] {strides = array<i32>} : memref<320x128xf32, #tpu.memory_space<vmem>>, vector<1x16xf32>,
        %get3A_490 = vector.shape_cast %get3A_489 : vector<1x16xf32> to vector<16xf32>
        %max3A_491 = arith.maximumf %max3A_484, %get3A_490 : vector<16xf32>
        %add3A_492 = arith.constant 256 : i32
        %add3A_493 = arith.addi %add3A_492, %scan3A_225 : i32
        %get3A_494 = arith.index_cast %add3A_493 : i32 to index
        %get3A_495 = arith.constant 48 : index
        %get3A_496 = tpu.vector_load %arg6[%get3A_494, %get3A_495] {strides = array<i32>} : memref<320x128xf32, #tpu.memory_space<vmem>>, vector<1x16xf32>,
        %get3A_497 = vector.shape_cast %get3A_496 : vector<1x16xf32> to vector<16xf32>
        %max3A_498 = arith.maximumf %max3A_491, %get3A_497 : vector<16xf32>
        %add3A_499 = arith.constant 288 : i32
        %add3A_500 = arith.addi %add3A_499, %scan3A_225 : i32
        %get3A_501 = arith.index_cast %add3A_500 : i32 to index
        %get3A_502 = arith.constant 48 : index
        %get3A_503 = tpu.vector_load %arg6[%get3A_501, %get3A_502] {strides = array<i32>} : memref<320x128xf32, #tpu.memory_space<vmem>>, vector<1x16xf32>,
        %get3A_504 = vector.shape_cast %get3A_503 : vector<1x16xf32> to vector<16xf32>
        %max3A_505 = arith.maximumf %max3A_498, %get3A_504 : vector<16xf32>
        %swap3A_506 = arith.index_cast %scan3A_225 : i32 to index
        %swap3A_507 = arith.constant 48 : index
        %swap3A_508 = tpu.vector_load %arg7[%swap3A_506, %swap3A_507] {strides = array<i32>} : memref<32x128xf32, #tpu.memory_space<vmem>>, vector<1x16xf32>,
        %swap3A_509 = vector.shape_cast %swap3A_508 : vector<1x16xf32> to vector<16xf32>
        %swap3A_510 = vector.shape_cast %max3A_505 : vector<16xf32> to vector<1x16xf32>
        tpu.vector_store %arg7[%swap3A_506, %swap3A_507], %swap3A_510 {strides = array<i32>} : memref<32x128xf32, #tpu.memory_space<vmem>>, vector<1x16xf32>,
        %get3A_511 = arith.index_cast %scan3A_225 : i32 to index
        %get3A_512 = arith.constant 64 : index
        %get3A_513 = tpu.vector_load %arg6[%get3A_511, %get3A_512] {strides = array<i32>} : memref<320x128xf32, #tpu.memory_space<vmem>>, vector<1x16xf32>,
        %get3A_514 = vector.shape_cast %get3A_513 : vector<1x16xf32> to vector<16xf32>
        %add3A_515 = arith.constant 32 : i32
        %add3A_516 = arith.addi %add3A_515, %scan3A_225 : i32
        %get3A_517 = arith.index_cast %add3A_516 : i32 to index
        %get3A_518 = arith.constant 64 : index
        %get3A_519 = tpu.vector_load %arg6[%get3A_517, %get3A_518] {strides = array<i32>} : memref<320x128xf32, #tpu.memory_space<vmem>>, vector<1x16xf32>,
        %get3A_520 = vector.shape_cast %get3A_519 : vector<1x16xf32> to vector<16xf32>
        %max3A_521 = arith.maximumf %get3A_514, %get3A_520 : vector<16xf32>
        %add3A_522 = arith.constant 64 : i32
        %add3A_523 = arith.addi %add3A_522, %scan3A_225 : i32
        %get3A_524 = arith.index_cast %add3A_523 : i32 to index
        %get3A_525 = arith.constant 64 : index
        %get3A_526 = tpu.vector_load %arg6[%get3A_524, %get3A_525] {strides = array<i32>} : memref<320x128xf32, #tpu.memory_space<vmem>>, vector<1x16xf32>,
        %get3A_527 = vector.shape_cast %get3A_526 : vector<1x16xf32> to vector<16xf32>
        %max3A_528 = arith.maximumf %max3A_521, %get3A_527 : vector<16xf32>
        %add3A_529 = arith.constant 96 : i32
        %add3A_530 = arith.addi %add3A_529, %scan3A_225 : i32
        %get3A_531 = arith.index_cast %add3A_530 : i32 to index
        %get3A_532 = arith.constant 64 : index
        %get3A_533 = tpu.vector_load %arg6[%get3A_531, %get3A_532] {strides = array<i32>} : memref<320x128xf32, #tpu.memory_space<vmem>>, vector<1x16xf32>,
        %get3A_534 = vector.shape_cast %get3A_533 : vector<1x16xf32> to vector<16xf32>
        %max3A_535 = arith.maximumf %max3A_528, %get3A_534 : vector<16xf32>
        %add3A_536 = arith.constant 128 : i32
        %add3A_537 = arith.addi %add3A_536, %scan3A_225 : i32
        %get3A_538 = arith.index_cast %add3A_537 : i32 to index
        %get3A_539 = arith.constant 64 : index
        %get3A_540 = tpu.vector_load %arg6[%get3A_538, %get3A_539] {strides = array<i32>} : memref<320x128xf32, #tpu.memory_space<vmem>>, vector<1x16xf32>,
        %get3A_541 = vector.shape_cast %get3A_540 : vector<1x16xf32> to vector<16xf32>
        %max3A_542 = arith.maximumf %max3A_535, %get3A_541 : vector<16xf32>
        %add3A_543 = arith.constant 160 : i32
        %add3A_544 = arith.addi %add3A_543, %scan3A_225 : i32
        %get3A_545 = arith.index_cast %add3A_544 : i32 to index
        %get3A_546 = arith.constant 64 : index
        %get3A_547 = tpu.vector_load %arg6[%get3A_545, %get3A_546] {strides = array<i32>} : memref<320x128xf32, #tpu.memory_space<vmem>>, vector<1x16xf32>,
        %get3A_548 = vector.shape_cast %get3A_547 : vector<1x16xf32> to vector<16xf32>
        %max3A_549 = arith.maximumf %max3A_542, %get3A_548 : vector<16xf32>
        %add3A_550 = arith.constant 192 : i32
        %add3A_551 = arith.addi %add3A_550, %scan3A_225 : i32
        %get3A_552 = arith.index_cast %add3A_551 : i32 to index
        %get3A_553 = arith.constant 64 : index
        %get3A_554 = tpu.vector_load %arg6[%get3A_552, %get3A_553] {strides = array<i32>} : memref<320x128xf32, #tpu.memory_space<vmem>>, vector<1x16xf32>,
        %get3A_555 = vector.shape_cast %get3A_554 : vector<1x16xf32> to vector<16xf32>
        %max3A_556 = arith.maximumf %max3A_549, %get3A_555 : vector<16xf32>
        %add3A_557 = arith.constant 224 : i32
        %add3A_558 = arith.addi %add3A_557, %scan3A_225 : i32
        %get3A_559 = arith.index_cast %add3A_558 : i32 to index
        %get3A_560 = arith.constant 64 : index
        %get3A_561 = tpu.vector_load %arg6[%get3A_559, %get3A_560] {strides = array<i32>} : memref<320x128xf32, #tpu.memory_space<vmem>>, vector<1x16xf32>,
        %get3A_562 = vector.shape_cast %get3A_561 : vector<1x16xf32> to vector<16xf32>
        %max3A_563 = arith.maximumf %max3A_556, %get3A_562 : vector<16xf32>
        %add3A_564 = arith.constant 256 : i32
        %add3A_565 = arith.addi %add3A_564, %scan3A_225 : i32
        %get3A_566 = arith.index_cast %add3A_565 : i32 to index
        %get3A_567 = arith.constant 64 : index
        %get3A_568 = tpu.vector_load %arg6[%get3A_566, %get3A_567] {strides = array<i32>} : memref<320x128xf32, #tpu.memory_space<vmem>>, vector<1x16xf32>,
        %get3A_569 = vector.shape_cast %get3A_568 : vector<1x16xf32> to vector<16xf32>
        %max3A_570 = arith.maximumf %max3A_563, %get3A_569 : vector<16xf32>
        %add3A_571 = arith.constant 288 : i32
        %add3A_572 = arith.addi %add3A_571, %scan3A_225 : i32
        %get3A_573 = arith.index_cast %add3A_572 : i32 to index
        %get3A_574 = arith.constant 64 : index
        %get3A_575 = tpu.vector_load %arg6[%get3A_573, %get3A_574] {strides = array<i32>} : memref<320x128xf32, #tpu.memory_space<vmem>>, vector<1x16xf32>,
        %get3A_576 = vector.shape_cast %get3A_575 : vector<1x16xf32> to vector<16xf32>
        %max3A_577 = arith.maximumf %max3A_570, %get3A_576 : vector<16xf32>
        %swap3A_578 = arith.index_cast %scan3A_225 : i32 to index
        %swap3A_579 = arith.constant 64 : index
        %swap3A_580 = tpu.vector_load %arg7[%swap3A_578, %swap3A_579] {strides = array<i32>} : memref<32x128xf32, #tpu.memory_space<vmem>>, vector<1x16xf32>,
        %swap3A_581 = vector.shape_cast %swap3A_580 : vector<1x16xf32> to vector<16xf32>
        %swap3A_582 = vector.shape_cast %max3A_577 : vector<16xf32> to vector<1x16xf32>
        tpu.vector_store %arg7[%swap3A_578, %swap3A_579], %swap3A_582 {strides = array<i32>} : memref<32x128xf32, #tpu.memory_space<vmem>>, vector<1x16xf32>,
        %get3A_583 = arith.index_cast %scan3A_225 : i32 to index
        %get3A_584 = arith.constant 80 : index
        %get3A_585 = tpu.vector_load %arg6[%get3A_583, %get3A_584] {strides = array<i32>} : memref<320x128xf32, #tpu.memory_space<vmem>>, vector<1x16xf32>,
        %get3A_586 = vector.shape_cast %get3A_585 : vector<1x16xf32> to vector<16xf32>
        %add3A_587 = arith.constant 32 : i32
        %add3A_588 = arith.addi %add3A_587, %scan3A_225 : i32
        %get3A_589 = arith.index_cast %add3A_588 : i32 to index
        %get3A_590 = arith.constant 80 : index
        %get3A_591 = tpu.vector_load %arg6[%get3A_589, %get3A_590] {strides = array<i32>} : memref<320x128xf32, #tpu.memory_space<vmem>>, vector<1x16xf32>,
        %get3A_592 = vector.shape_cast %get3A_591 : vector<1x16xf32> to vector<16xf32>
        %max3A_593 = arith.maximumf %get3A_586, %get3A_592 : vector<16xf32>
        %add3A_594 = arith.constant 64 : i32
        %add3A_595 = arith.addi %add3A_594, %scan3A_225 : i32
        %get3A_596 = arith.index_cast %add3A_595 : i32 to index
        %get3A_597 = arith.constant 80 : index
        %get3A_598 = tpu.vector_load %arg6[%get3A_596, %get3A_597] {strides = array<i32>} : memref<320x128xf32, #tpu.memory_space<vmem>>, vector<1x16xf32>,
        %get3A_599 = vector.shape_cast %get3A_598 : vector<1x16xf32> to vector<16xf32>
        %max3A_600 = arith.maximumf %max3A_593, %get3A_599 : vector<16xf32>
        %add3A_601 = arith.constant 96 : i32
        %add3A_602 = arith.addi %add3A_601, %scan3A_225 : i32
        %get3A_603 = arith.index_cast %add3A_602 : i32 to index
        %get3A_604 = arith.constant 80 : index
        %get3A_605 = tpu.vector_load %arg6[%get3A_603, %get3A_604] {strides = array<i32>} : memref<320x128xf32, #tpu.memory_space<vmem>>, vector<1x16xf32>,
        %get3A_606 = vector.shape_cast %get3A_605 : vector<1x16xf32> to vector<16xf32>
        %max3A_607 = arith.maximumf %max3A_600, %get3A_606 : vector<16xf32>
        %add3A_608 = arith.constant 128 : i32
        %add3A_609 = arith.addi %add3A_608, %scan3A_225 : i32
        %get3A_610 = arith.index_cast %add3A_609 : i32 to index
        %get3A_611 = arith.constant 80 : index
        %get3A_612 = tpu.vector_load %arg6[%get3A_610, %get3A_611] {strides = array<i32>} : memref<320x128xf32, #tpu.memory_space<vmem>>, vector<1x16xf32>,
        %get3A_613 = vector.shape_cast %get3A_612 : vector<1x16xf32> to vector<16xf32>
        %max3A_614 = arith.maximumf %max3A_607, %get3A_613 : vector<16xf32>
        %add3A_615 = arith.constant 160 : i32
        %add3A_616 = arith.addi %add3A_615, %scan3A_225 : i32
        %get3A_617 = arith.index_cast %add3A_616 : i32 to index
        %get3A_618 = arith.constant 80 : index
        %get3A_619 = tpu.vector_load %arg6[%get3A_617, %get3A_618] {strides = array<i32>} : memref<320x128xf32, #tpu.memory_space<vmem>>, vector<1x16xf32>,
        %get3A_620 = vector.shape_cast %get3A_619 : vector<1x16xf32> to vector<16xf32>
        %max3A_621 = arith.maximumf %max3A_614, %get3A_620 : vector<16xf32>
        %add3A_622 = arith.constant 192 : i32
        %add3A_623 = arith.addi %add3A_622, %scan3A_225 : i32
        %get3A_624 = arith.index_cast %add3A_623 : i32 to index
        %get3A_625 = arith.constant 80 : index
        %get3A_626 = tpu.vector_load %arg6[%get3A_624, %get3A_625] {strides = array<i32>} : memref<320x128xf32, #tpu.memory_space<vmem>>, vector<1x16xf32>,
        %get3A_627 = vector.shape_cast %get3A_626 : vector<1x16xf32> to vector<16xf32>
        %max3A_628 = arith.maximumf %max3A_621, %get3A_627 : vector<16xf32>
        %add3A_629 = arith.constant 224 : i32
        %add3A_630 = arith.addi %add3A_629, %scan3A_225 : i32
        %get3A_631 = arith.index_cast %add3A_630 : i32 to index
        %get3A_632 = arith.constant 80 : index
        %get3A_633 = tpu.vector_load %arg6[%get3A_631, %get3A_632] {strides = array<i32>} : memref<320x128xf32, #tpu.memory_space<vmem>>, vector<1x16xf32>,
        %get3A_634 = vector.shape_cast %get3A_633 : vector<1x16xf32> to vector<16xf32>
        %max3A_635 = arith.maximumf %max3A_628, %get3A_634 : vector<16xf32>
        %add3A_636 = arith.constant 256 : i32
        %add3A_637 = arith.addi %add3A_636, %scan3A_225 : i32
        %get3A_638 = arith.index_cast %add3A_637 : i32 to index
        %get3A_639 = arith.constant 80 : index
        %get3A_640 = tpu.vector_load %arg6[%get3A_638, %get3A_639] {strides = array<i32>} : memref<320x128xf32, #tpu.memory_space<vmem>>, vector<1x16xf32>,
        %get3A_641 = vector.shape_cast %get3A_640 : vector<1x16xf32> to vector<16xf32>
        %max3A_642 = arith.maximumf %max3A_635, %get3A_641 : vector<16xf32>
        %add3A_643 = arith.constant 288 : i32
        %add3A_644 = arith.addi %add3A_643, %scan3A_225 : i32
        %get3A_645 = arith.index_cast %add3A_644 : i32 to index
        %get3A_646 = arith.constant 80 : index
        %get3A_647 = tpu.vector_load %arg6[%get3A_645, %get3A_646] {strides = array<i32>} : memref<320x128xf32, #tpu.memory_space<vmem>>, vector<1x16xf32>,
        %get3A_648 = vector.shape_cast %get3A_647 : vector<1x16xf32> to vector<16xf32>
        %max3A_649 = arith.maximumf %max3A_642, %get3A_648 : vector<16xf32>
        %swap3A_650 = arith.index_cast %scan3A_225 : i32 to index
        %swap3A_651 = arith.constant 80 : index
        %swap3A_652 = tpu.vector_load %arg7[%swap3A_650, %swap3A_651] {strides = array<i32>} : memref<32x128xf32, #tpu.memory_space<vmem>>, vector<1x16xf32>,
        %swap3A_653 = vector.shape_cast %swap3A_652 : vector<1x16xf32> to vector<16xf32>
        %swap3A_654 = vector.shape_cast %max3A_649 : vector<16xf32> to vector<1x16xf32>
        tpu.vector_store %arg7[%swap3A_650, %swap3A_651], %swap3A_654 {strides = array<i32>} : memref<32x128xf32, #tpu.memory_space<vmem>>, vector<1x16xf32>,
        %get3A_655 = arith.index_cast %scan3A_225 : i32 to index
        %get3A_656 = arith.constant 96 : index
        %get3A_657 = tpu.vector_load %arg6[%get3A_655, %get3A_656] {strides = array<i32>} : memref<320x128xf32, #tpu.memory_space<vmem>>, vector<1x16xf32>,
        %get3A_658 = vector.shape_cast %get3A_657 : vector<1x16xf32> to vector<16xf32>
        %add3A_659 = arith.constant 32 : i32
        %add3A_660 = arith.addi %add3A_659, %scan3A_225 : i32
        %get3A_661 = arith.index_cast %add3A_660 : i32 to index
        %get3A_662 = arith.constant 96 : index
        %get3A_663 = tpu.vector_load %arg6[%get3A_661, %get3A_662] {strides = array<i32>} : memref<320x128xf32, #tpu.memory_space<vmem>>, vector<1x16xf32>,
        %get3A_664 = vector.shape_cast %get3A_663 : vector<1x16xf32> to vector<16xf32>
        %max3A_665 = arith.maximumf %get3A_658, %get3A_664 : vector<16xf32>
        %add3A_666 = arith.constant 64 : i32
        %add3A_667 = arith.addi %add3A_666, %scan3A_225 : i32
        %get3A_668 = arith.index_cast %add3A_667 : i32 to index
        %get3A_669 = arith.constant 96 : index
        %get3A_670 = tpu.vector_load %arg6[%get3A_668, %get3A_669] {strides = array<i32>} : memref<320x128xf32, #tpu.memory_space<vmem>>, vector<1x16xf32>,
        %get3A_671 = vector.shape_cast %get3A_670 : vector<1x16xf32> to vector<16xf32>
        %max3A_672 = arith.maximumf %max3A_665, %get3A_671 : vector<16xf32>
        %add3A_673 = arith.constant 96 : i32
        %add3A_674 = arith.addi %add3A_673, %scan3A_225 : i32
        %get3A_675 = arith.index_cast %add3A_674 : i32 to index
        %get3A_676 = arith.constant 96 : index
        %get3A_677 = tpu.vector_load %arg6[%get3A_675, %get3A_676] {strides = array<i32>} : memref<320x128xf32, #tpu.memory_space<vmem>>, vector<1x16xf32>,
        %get3A_678 = vector.shape_cast %get3A_677 : vector<1x16xf32> to vector<16xf32>
        %max3A_679 = arith.maximumf %max3A_672, %get3A_678 : vector<16xf32>
        %add3A_680 = arith.constant 128 : i32
        %add3A_681 = arith.addi %add3A_680, %scan3A_225 : i32
        %get3A_682 = arith.index_cast %add3A_681 : i32 to index
        %get3A_683 = arith.constant 96 : index
        %get3A_684 = tpu.vector_load %arg6[%get3A_682, %get3A_683] {strides = array<i32>} : memref<320x128xf32, #tpu.memory_space<vmem>>, vector<1x16xf32>,
        %get3A_685 = vector.shape_cast %get3A_684 : vector<1x16xf32> to vector<16xf32>
        %max3A_686 = arith.maximumf %max3A_679, %get3A_685 : vector<16xf32>
        %add3A_687 = arith.constant 160 : i32
        %add3A_688 = arith.addi %add3A_687, %scan3A_225 : i32
        %get3A_689 = arith.index_cast %add3A_688 : i32 to index
        %get3A_690 = arith.constant 96 : index
        %get3A_691 = tpu.vector_load %arg6[%get3A_689, %get3A_690] {strides = array<i32>} : memref<320x128xf32, #tpu.memory_space<vmem>>, vector<1x16xf32>,
        %get3A_692 = vector.shape_cast %get3A_691 : vector<1x16xf32> to vector<16xf32>
        %max3A_693 = arith.maximumf %max3A_686, %get3A_692 : vector<16xf32>
        %add3A_694 = arith.constant 192 : i32
        %add3A_695 = arith.addi %add3A_694, %scan3A_225 : i32
        %get3A_696 = arith.index_cast %add3A_695 : i32 to index
        %get3A_697 = arith.constant 96 : index
        %get3A_698 = tpu.vector_load %arg6[%get3A_696, %get3A_697] {strides = array<i32>} : memref<320x128xf32, #tpu.memory_space<vmem>>, vector<1x16xf32>,
        %get3A_699 = vector.shape_cast %get3A_698 : vector<1x16xf32> to vector<16xf32>
        %max3A_700 = arith.maximumf %max3A_693, %get3A_699 : vector<16xf32>
        %add3A_701 = arith.constant 224 : i32
        %add3A_702 = arith.addi %add3A_701, %scan3A_225 : i32
        %get3A_703 = arith.index_cast %add3A_702 : i32 to index
        %get3A_704 = arith.constant 96 : index
        %get3A_705 = tpu.vector_load %arg6[%get3A_703, %get3A_704] {strides = array<i32>} : memref<320x128xf32, #tpu.memory_space<vmem>>, vector<1x16xf32>,
        %get3A_706 = vector.shape_cast %get3A_705 : vector<1x16xf32> to vector<16xf32>
        %max3A_707 = arith.maximumf %max3A_700, %get3A_706 : vector<16xf32>
        %add3A_708 = arith.constant 256 : i32
        %add3A_709 = arith.addi %add3A_708, %scan3A_225 : i32
        %get3A_710 = arith.index_cast %add3A_709 : i32 to index
        %get3A_711 = arith.constant 96 : index
        %get3A_712 = tpu.vector_load %arg6[%get3A_710, %get3A_711] {strides = array<i32>} : memref<320x128xf32, #tpu.memory_space<vmem>>, vector<1x16xf32>,
        %get3A_713 = vector.shape_cast %get3A_712 : vector<1x16xf32> to vector<16xf32>
        %max3A_714 = arith.maximumf %max3A_707, %get3A_713 : vector<16xf32>
        %add3A_715 = arith.constant 288 : i32
        %add3A_716 = arith.addi %add3A_715, %scan3A_225 : i32
        %get3A_717 = arith.index_cast %add3A_716 : i32 to index
        %get3A_718 = arith.constant 96 : index
        %get3A_719 = tpu.vector_load %arg6[%get3A_717, %get3A_718] {strides = array<i32>} : memref<320x128xf32, #tpu.memory_space<vmem>>, vector<1x16xf32>,
        %get3A_720 = vector.shape_cast %get3A_719 : vector<1x16xf32> to vector<16xf32>
        %max3A_721 = arith.maximumf %max3A_714, %get3A_720 : vector<16xf32>
        %swap3A_722 = arith.index_cast %scan3A_225 : i32 to index
        %swap3A_723 = arith.constant 96 : index
        %swap3A_724 = tpu.vector_load %arg7[%swap3A_722, %swap3A_723] {strides = array<i32>} : memref<32x128xf32, #tpu.memory_space<vmem>>, vector<1x16xf32>,
        %swap3A_725 = vector.shape_cast %swap3A_724 : vector<1x16xf32> to vector<16xf32>
        %swap3A_726 = vector.shape_cast %max3A_721 : vector<16xf32> to vector<1x16xf32>
        tpu.vector_store %arg7[%swap3A_722, %swap3A_723], %swap3A_726 {strides = array<i32>} : memref<32x128xf32, #tpu.memory_space<vmem>>, vector<1x16xf32>,
        %get3A_727 = arith.index_cast %scan3A_225 : i32 to index
        %get3A_728 = arith.constant 112 : index
        %get3A_729 = tpu.vector_load %arg6[%get3A_727, %get3A_728] {strides = array<i32>} : memref<320x128xf32, #tpu.memory_space<vmem>>, vector<1x16xf32>,
        %get3A_730 = vector.shape_cast %get3A_729 : vector<1x16xf32> to vector<16xf32>
        %add3A_731 = arith.constant 32 : i32
        %add3A_732 = arith.addi %add3A_731, %scan3A_225 : i32
        %get3A_733 = arith.index_cast %add3A_732 : i32 to index
        %get3A_734 = arith.constant 112 : index
        %get3A_735 = tpu.vector_load %arg6[%get3A_733, %get3A_734] {strides = array<i32>} : memref<320x128xf32, #tpu.memory_space<vmem>>, vector<1x16xf32>,
        %get3A_736 = vector.shape_cast %get3A_735 : vector<1x16xf32> to vector<16xf32>
        %max3A_737 = arith.maximumf %get3A_730, %get3A_736 : vector<16xf32>
        %add3A_738 = arith.constant 64 : i32
        %add3A_739 = arith.addi %add3A_738, %scan3A_225 : i32
        %get3A_740 = arith.index_cast %add3A_739 : i32 to index
        %get3A_741 = arith.constant 112 : index
        %get3A_742 = tpu.vector_load %arg6[%get3A_740, %get3A_741] {strides = array<i32>} : memref<320x128xf32, #tpu.memory_space<vmem>>, vector<1x16xf32>,
        %get3A_743 = vector.shape_cast %get3A_742 : vector<1x16xf32> to vector<16xf32>
        %max3A_744 = arith.maximumf %max3A_737, %get3A_743 : vector<16xf32>
        %add3A_745 = arith.constant 96 : i32
        %add3A_746 = arith.addi %add3A_745, %scan3A_225 : i32
        %get3A_747 = arith.index_cast %add3A_746 : i32 to index
        %get3A_748 = arith.constant 112 : index
        %get3A_749 = tpu.vector_load %arg6[%get3A_747, %get3A_748] {strides = array<i32>} : memref<320x128xf32, #tpu.memory_space<vmem>>, vector<1x16xf32>,
        %get3A_750 = vector.shape_cast %get3A_749 : vector<1x16xf32> to vector<16xf32>
        %max3A_751 = arith.maximumf %max3A_744, %get3A_750 : vector<16xf32>
        %add3A_752 = arith.constant 128 : i32
        %add3A_753 = arith.addi %add3A_752, %scan3A_225 : i32
        %get3A_754 = arith.index_cast %add3A_753 : i32 to index
        %get3A_755 = arith.constant 112 : index
        %get3A_756 = tpu.vector_load %arg6[%get3A_754, %get3A_755] {strides = array<i32>} : memref<320x128xf32, #tpu.memory_space<vmem>>, vector<1x16xf32>,
        %get3A_757 = vector.shape_cast %get3A_756 : vector<1x16xf32> to vector<16xf32>
        %max3A_758 = arith.maximumf %max3A_751, %get3A_757 : vector<16xf32>
        %add3A_759 = arith.constant 160 : i32
        %add3A_760 = arith.addi %add3A_759, %scan3A_225 : i32
        %get3A_761 = arith.index_cast %add3A_760 : i32 to index
        %get3A_762 = arith.constant 112 : index
        %get3A_763 = tpu.vector_load %arg6[%get3A_761, %get3A_762] {strides = array<i32>} : memref<320x128xf32, #tpu.memory_space<vmem>>, vector<1x16xf32>,
        %get3A_764 = vector.shape_cast %get3A_763 : vector<1x16xf32> to vector<16xf32>
        %max3A_765 = arith.maximumf %max3A_758, %get3A_764 : vector<16xf32>
        %add3A_766 = arith.constant 192 : i32
        %add3A_767 = arith.addi %add3A_766, %scan3A_225 : i32
        %get3A_768 = arith.index_cast %add3A_767 : i32 to index
        %get3A_769 = arith.constant 112 : index
        %get3A_770 = tpu.vector_load %arg6[%get3A_768, %get3A_769] {strides = array<i32>} : memref<320x128xf32, #tpu.memory_space<vmem>>, vector<1x16xf32>,
        %get3A_771 = vector.shape_cast %get3A_770 : vector<1x16xf32> to vector<16xf32>
        %max3A_772 = arith.maximumf %max3A_765, %get3A_771 : vector<16xf32>
        %add3A_773 = arith.constant 224 : i32
        %add3A_774 = arith.addi %add3A_773, %scan3A_225 : i32
        %get3A_775 = arith.index_cast %add3A_774 : i32 to index
        %get3A_776 = arith.constant 112 : index
        %get3A_777 = tpu.vector_load %arg6[%get3A_775, %get3A_776] {strides = array<i32>} : memref<320x128xf32, #tpu.memory_space<vmem>>, vector<1x16xf32>,
        %get3A_778 = vector.shape_cast %get3A_777 : vector<1x16xf32> to vector<16xf32>
        %max3A_779 = arith.maximumf %max3A_772, %get3A_778 : vector<16xf32>
        %add3A_780 = arith.constant 256 : i32
        %add3A_781 = arith.addi %add3A_780, %scan3A_225 : i32
        %get3A_782 = arith.index_cast %add3A_781 : i32 to index
        %get3A_783 = arith.constant 112 : index
        %get3A_784 = tpu.vector_load %arg6[%get3A_782, %get3A_783] {strides = array<i32>} : memref<320x128xf32, #tpu.memory_space<vmem>>, vector<1x16xf32>,
        %get3A_785 = vector.shape_cast %get3A_784 : vector<1x16xf32> to vector<16xf32>
        %max3A_786 = arith.maximumf %max3A_779, %get3A_785 : vector<16xf32>
        %add3A_787 = arith.constant 288 : i32
        %add3A_788 = arith.addi %add3A_787, %scan3A_225 : i32
        %get3A_789 = arith.index_cast %add3A_788 : i32 to index
        %get3A_790 = arith.constant 112 : index
        %get3A_791 = tpu.vector_load %arg6[%get3A_789, %get3A_790] {strides = array<i32>} : memref<320x128xf32, #tpu.memory_space<vmem>>, vector<1x16xf32>,
        %get3A_792 = vector.shape_cast %get3A_791 : vector<1x16xf32> to vector<16xf32>
        %max3A_793 = arith.maximumf %max3A_786, %get3A_792 : vector<16xf32>
        %swap3A_794 = arith.index_cast %scan3A_225 : i32 to index
        %swap3A_795 = arith.constant 112 : index
        %swap3A_796 = tpu.vector_load %arg7[%swap3A_794, %swap3A_795] {strides = array<i32>} : memref<32x128xf32, #tpu.memory_space<vmem>>, vector<1x16xf32>,
        %swap3A_797 = vector.shape_cast %swap3A_796 : vector<1x16xf32> to vector<16xf32>
        %swap3A_798 = vector.shape_cast %max3A_793 : vector<16xf32> to vector<1x16xf32>
        tpu.vector_store %arg7[%swap3A_794, %swap3A_795], %swap3A_798 {strides = array<i32>} : memref<32x128xf32, #tpu.memory_space<vmem>>, vector<1x16xf32>,
      }
      %scan3A_222 = arith.constant 32 : i32
      %mul3A_223 = arith.constant 32 : i32
      %mul3A_224 = arith.muli %add3A_19, %mul3A_223 : i32
      "tpu.region"() ({
        %run_scoped3A = tpu.sem_alloc : memref<!tpu.dma_semaphore, #tpu.memory_space<semaphore_mem>>
        %dma_start3A_225 = arith.constant 0 : i32
        %dma_start3A_226 = tpu.memref_slice %arg4[%mul3A_224, %dma_start3A_225] : memref<50176x128xf32, #tpu.memory_space<hbm>> -> memref<32x128xf32, #tpu.memory_space<hbm>>
        %dma_start3A_227 = arith.constant 0 : i32
        %dma_start3A_228 = tpu.memref_slice %arg4[%mul3A_224, %dma_start3A_227] : memref<50176x128xf32, #tpu.memory_space<hbm>> -> memref<32x128xf32, #tpu.memory_space<hbm>>
        tpu.enqueue_dma source(%arg7 : memref<32x128xf32, #tpu.memory_space<vmem>>) target(%dma_start3A_228 : memref<32x128xf32, #tpu.memory_space<hbm>>) target_semaphore(%run_scoped3A : memref<!tpu.dma_semaphore, #tpu.memory_space<semaphore_mem>>)
        %dma_wait3A_229 = arith.constant 0 : i32
        %dma_wait3A_230 = tpu.memref_slice %arg4[%mul3A_224, %dma_wait3A_229] : memref<50176x128xf32, #tpu.memory_space<hbm>> -> memref<32x128xf32, #tpu.memory_space<hbm>>
        %dma_wait3A_231 = arith.constant 0 : i32
        %dma_wait3A_232 = tpu.memref_slice %arg4[%mul3A_224, %dma_wait3A_231] : memref<50176x128xf32, #tpu.memory_space<hbm>> -> memref<32x128xf32, #tpu.memory_space<hbm>>
        tpu.wait_dma2 semaphore(%run_scoped3A : memref<!tpu.dma_semaphore, #tpu.memory_space<semaphore_mem>>) src(%arg7 : memref<32x128xf32, #tpu.memory_space<vmem>>) dst(%dma_wait3A_232 : memref<32x128xf32, #tpu.memory_space<hbm>>)
        tpu.yield
      }) : () -> ()
    }
    %while3A_17 = arith.constant 1 : i32
    scf.for %while3A_18 = %while3A_15 to %while3A_11 step %while3A_17  : i32 {
      %add3A_19 = arith.addi %select_n3A_8, %while3A_18 : i32
      "tpu.region"() ({
        %run_scoped3A = tpu.sem_alloc : memref<!tpu.dma_semaphore, #tpu.memory_space<semaphore_mem>>
        %dma_start3A_225 = arith.constant 0 : i32
        %dma_start3A_226 = arith.constant 0 : i32
        %dma_start3A_227 = tpu.memref_slice %arg3[%add3A_19, %dma_start3A_225, %dma_start3A_226] : memref<1568x10x32xi32, #tpu.memory_space<hbm>> -> memref<1x10x32xi32, #tpu.memory_space<hbm>>
        %dma_start3A_228 = tpu.memref_squeeze %dma_start3A_227 : memref<1x10x32xi32, #tpu.memory_space<hbm>> -> memref<10x32xi32, #tpu.memory_space<hbm>>
        %dma_start3A_229 = arith.constant 0 : i32
        %dma_start3A_230 = arith.constant 0 : i32
        %dma_start3A_231 = tpu.memref_slice %arg3[%add3A_19, %dma_start3A_229, %dma_start3A_230] : memref<1568x10x32xi32, #tpu.memory_space<hbm>> -> memref<1x10x32xi32, #tpu.memory_space<hbm>>
        %dma_start3A_232 = tpu.memref_squeeze %dma_start3A_231 : memref<1x10x32xi32, #tpu.memory_space<hbm>> -> memref<10x32xi32, #tpu.memory_space<hbm>>
        tpu.enqueue_dma source(%dma_start3A_232 : memref<10x32xi32, #tpu.memory_space<hbm>>) target(%arg5 : memref<10x32xi32, #tpu.memory_space<vmem>>) target_semaphore(%run_scoped3A : memref<!tpu.dma_semaphore, #tpu.memory_space<semaphore_mem>>)
        %dma_wait3A_233 = arith.constant 0 : i32
        %dma_wait3A_234 = arith.constant 0 : i32
        %dma_wait3A_235 = tpu.memref_slice %arg3[%add3A_19, %dma_wait3A_233, %dma_wait3A_234] : memref<1568x10x32xi32, #tpu.memory_space<hbm>> -> memref<1x10x32xi32, #tpu.memory_space<hbm>>
        %dma_wait3A_236 = tpu.memref_squeeze %dma_wait3A_235 : memref<1x10x32xi32, #tpu.memory_space<hbm>> -> memref<10x32xi32, #tpu.memory_space<hbm>>
        %dma_wait3A_237 = arith.constant 0 : i32
        %dma_wait3A_238 = arith.constant 0 : i32
        %dma_wait3A_239 = tpu.memref_slice %arg3[%add3A_19, %dma_wait3A_237, %dma_wait3A_238] : memref<1568x10x32xi32, #tpu.memory_space<hbm>> -> memref<1x10x32xi32, #tpu.memory_space<hbm>>
        %dma_wait3A_240 = tpu.memref_squeeze %dma_wait3A_239 : memref<1x10x32xi32, #tpu.memory_space<hbm>> -> memref<10x32xi32, #tpu.memory_space<hbm>>
        tpu.wait_dma2 semaphore(%run_scoped3A : memref<!tpu.dma_semaphore, #tpu.memory_space<semaphore_mem>>) src(%dma_wait3A_240 : memref<10x32xi32, #tpu.memory_space<hbm>>) dst(%arg5 : memref<10x32xi32, #tpu.memory_space<vmem>>)
        tpu.yield
      }) : () -> ()
      %dma_start3A = arith.constant 0 : i32
      %dma_start3A_20 = arith.constant 0 : i32
      %dma_start3A_21 = arith.constant 0 : i32
      %dma_start3A_22 = tpu.memref_slice %arg6[%dma_start3A_20, %dma_start3A_21] : memref<320x128xf32, #tpu.memory_space<vmem>> -> memref<32x128xf32, #tpu.memory_space<vmem>>
      %dma_start3A_23 = arith.constant 0 : i32
      %dma_start3A_24 = tpu.memref_slice %arg5[%dma_start3A, %dma_start3A_23] : memref<10x32xi32, #tpu.memory_space<vmem>> -> memref<1x32xi32, #tpu.memory_space<vmem>>
      %dma_start3A_25 = tpu.memref_squeeze %dma_start3A_24 : memref<1x32xi32, #tpu.memory_space<vmem>> -> memref<32xi32, #tpu.memory_space<vmem>>
      %dma_start3A_26 = arith.constant 0 : i32
      %dma_start3A_27 = arith.constant 0 : i32
      %dma_start3A_28 = tpu.memref_slice %arg2[%dma_start3A_26, %dma_start3A_27] : memref<50000x128xf32, #tpu.memory_space<hbm>> -> memref<50000x128xf32, #tpu.memory_space<hbm>>
      tpu.enqueue_indirect_dma source(%dma_start3A_28 : memref<50000x128xf32, #tpu.memory_space<hbm>>) target(%dma_start3A_22 : memref<32x128xf32, #tpu.memory_space<vmem>>) offsets(%dma_start3A_25 : memref<32xi32, #tpu.memory_space<vmem>>) semaphore(%arg8 : memref<!tpu.dma_semaphore, #tpu.memory_space<semaphore_mem>>)
      %dma_start3A_29 = arith.constant 1 : i32
      %dma_start3A_30 = arith.constant 32 : i32
      %dma_start3A_31 = arith.constant 0 : i32
      %dma_start3A_32 = tpu.memref_slice %arg6[%dma_start3A_30, %dma_start3A_31] : memref<320x128xf32, #tpu.memory_space<vmem>> -> memref<32x128xf32, #tpu.memory_space<vmem>>
      %dma_start3A_33 = arith.constant 0 : i32
      %dma_start3A_34 = tpu.memref_slice %arg5[%dma_start3A_29, %dma_start3A_33] : memref<10x32xi32, #tpu.memory_space<vmem>> -> memref<1x32xi32, #tpu.memory_space<vmem>>
      %dma_start3A_35 = tpu.memref_squeeze %dma_start3A_34 : memref<1x32xi32, #tpu.memory_space<vmem>> -> memref<32xi32, #tpu.memory_space<vmem>>
      %dma_start3A_36 = arith.constant 0 : i32
      %dma_start3A_37 = arith.constant 0 : i32
      %dma_start3A_38 = tpu.memref_slice %arg2[%dma_start3A_36, %dma_start3A_37] : memref<50000x128xf32, #tpu.memory_space<hbm>> -> memref<50000x128xf32, #tpu.memory_space<hbm>>
      tpu.enqueue_indirect_dma source(%dma_start3A_38 : memref<50000x128xf32, #tpu.memory_space<hbm>>) target(%dma_start3A_32 : memref<32x128xf32, #tpu.memory_space<vmem>>) offsets(%dma_start3A_35 : memref<32xi32, #tpu.memory_space<vmem>>) semaphore(%arg8 : memref<!tpu.dma_semaphore, #tpu.memory_space<semaphore_mem>>)
      %dma_start3A_39 = arith.constant 2 : i32
      %dma_start3A_40 = arith.constant 64 : i32
      %dma_start3A_41 = arith.constant 0 : i32
      %dma_start3A_42 = tpu.memref_slice %arg6[%dma_start3A_40, %dma_start3A_41] : memref<320x128xf32, #tpu.memory_space<vmem>> -> memref<32x128xf32, #tpu.memory_space<vmem>>
      %dma_start3A_43 = arith.constant 0 : i32
      %dma_start3A_44 = tpu.memref_slice %arg5[%dma_start3A_39, %dma_start3A_43] : memref<10x32xi32, #tpu.memory_space<vmem>> -> memref<1x32xi32, #tpu.memory_space<vmem>>
      %dma_start3A_45 = tpu.memref_squeeze %dma_start3A_44 : memref<1x32xi32, #tpu.memory_space<vmem>> -> memref<32xi32, #tpu.memory_space<vmem>>
      %dma_start3A_46 = arith.constant 0 : i32
      %dma_start3A_47 = arith.constant 0 : i32
      %dma_start3A_48 = tpu.memref_slice %arg2[%dma_start3A_46, %dma_start3A_47] : memref<50000x128xf32, #tpu.memory_space<hbm>> -> memref<50000x128xf32, #tpu.memory_space<hbm>>
      tpu.enqueue_indirect_dma source(%dma_start3A_48 : memref<50000x128xf32, #tpu.memory_space<hbm>>) target(%dma_start3A_42 : memref<32x128xf32, #tpu.memory_space<vmem>>) offsets(%dma_start3A_45 : memref<32xi32, #tpu.memory_space<vmem>>) semaphore(%arg8 : memref<!tpu.dma_semaphore, #tpu.memory_space<semaphore_mem>>)
      %dma_start3A_49 = arith.constant 3 : i32
      %dma_start3A_50 = arith.constant 96 : i32
      %dma_start3A_51 = arith.constant 0 : i32
      %dma_start3A_52 = tpu.memref_slice %arg6[%dma_start3A_50, %dma_start3A_51] : memref<320x128xf32, #tpu.memory_space<vmem>> -> memref<32x128xf32, #tpu.memory_space<vmem>>
      %dma_start3A_53 = arith.constant 0 : i32
      %dma_start3A_54 = tpu.memref_slice %arg5[%dma_start3A_49, %dma_start3A_53] : memref<10x32xi32, #tpu.memory_space<vmem>> -> memref<1x32xi32, #tpu.memory_space<vmem>>
      %dma_start3A_55 = tpu.memref_squeeze %dma_start3A_54 : memref<1x32xi32, #tpu.memory_space<vmem>> -> memref<32xi32, #tpu.memory_space<vmem>>
      %dma_start3A_56 = arith.constant 0 : i32
      %dma_start3A_57 = arith.constant 0 : i32
      %dma_start3A_58 = tpu.memref_slice %arg2[%dma_start3A_56, %dma_start3A_57] : memref<50000x128xf32, #tpu.memory_space<hbm>> -> memref<50000x128xf32, #tpu.memory_space<hbm>>
      tpu.enqueue_indirect_dma source(%dma_start3A_58 : memref<50000x128xf32, #tpu.memory_space<hbm>>) target(%dma_start3A_52 : memref<32x128xf32, #tpu.memory_space<vmem>>) offsets(%dma_start3A_55 : memref<32xi32, #tpu.memory_space<vmem>>) semaphore(%arg8 : memref<!tpu.dma_semaphore, #tpu.memory_space<semaphore_mem>>)
      %dma_start3A_59 = arith.constant 4 : i32
      %dma_start3A_60 = arith.constant 128 : i32
      %dma_start3A_61 = arith.constant 0 : i32
      %dma_start3A_62 = tpu.memref_slice %arg6[%dma_start3A_60, %dma_start3A_61] : memref<320x128xf32, #tpu.memory_space<vmem>> -> memref<32x128xf32, #tpu.memory_space<vmem>>
      %dma_start3A_63 = arith.constant 0 : i32
      %dma_start3A_64 = tpu.memref_slice %arg5[%dma_start3A_59, %dma_start3A_63] : memref<10x32xi32, #tpu.memory_space<vmem>> -> memref<1x32xi32, #tpu.memory_space<vmem>>
      %dma_start3A_65 = tpu.memref_squeeze %dma_start3A_64 : memref<1x32xi32, #tpu.memory_space<vmem>> -> memref<32xi32, #tpu.memory_space<vmem>>
      %dma_start3A_66 = arith.constant 0 : i32
      %dma_start3A_67 = arith.constant 0 : i32
      %dma_start3A_68 = tpu.memref_slice %arg2[%dma_start3A_66, %dma_start3A_67] : memref<50000x128xf32, #tpu.memory_space<hbm>> -> memref<50000x128xf32, #tpu.memory_space<hbm>>
      tpu.enqueue_indirect_dma source(%dma_start3A_68 : memref<50000x128xf32, #tpu.memory_space<hbm>>) target(%dma_start3A_62 : memref<32x128xf32, #tpu.memory_space<vmem>>) offsets(%dma_start3A_65 : memref<32xi32, #tpu.memory_space<vmem>>) semaphore(%arg8 : memref<!tpu.dma_semaphore, #tpu.memory_space<semaphore_mem>>)
      %dma_start3A_69 = arith.constant 5 : i32
      %dma_start3A_70 = arith.constant 160 : i32
      %dma_start3A_71 = arith.constant 0 : i32
      %dma_start3A_72 = tpu.memref_slice %arg6[%dma_start3A_70, %dma_start3A_71] : memref<320x128xf32, #tpu.memory_space<vmem>> -> memref<32x128xf32, #tpu.memory_space<vmem>>
      %dma_start3A_73 = arith.constant 0 : i32
      %dma_start3A_74 = tpu.memref_slice %arg5[%dma_start3A_69, %dma_start3A_73] : memref<10x32xi32, #tpu.memory_space<vmem>> -> memref<1x32xi32, #tpu.memory_space<vmem>>
      %dma_start3A_75 = tpu.memref_squeeze %dma_start3A_74 : memref<1x32xi32, #tpu.memory_space<vmem>> -> memref<32xi32, #tpu.memory_space<vmem>>
      %dma_start3A_76 = arith.constant 0 : i32
      %dma_start3A_77 = arith.constant 0 : i32
      %dma_start3A_78 = tpu.memref_slice %arg2[%dma_start3A_76, %dma_start3A_77] : memref<50000x128xf32, #tpu.memory_space<hbm>> -> memref<50000x128xf32, #tpu.memory_space<hbm>>
      tpu.enqueue_indirect_dma source(%dma_start3A_78 : memref<50000x128xf32, #tpu.memory_space<hbm>>) target(%dma_start3A_72 : memref<32x128xf32, #tpu.memory_space<vmem>>) offsets(%dma_start3A_75 : memref<32xi32, #tpu.memory_space<vmem>>) semaphore(%arg8 : memref<!tpu.dma_semaphore, #tpu.memory_space<semaphore_mem>>)
      %dma_start3A_79 = arith.constant 6 : i32
      %dma_start3A_80 = arith.constant 192 : i32
      %dma_start3A_81 = arith.constant 0 : i32
      %dma_start3A_82 = tpu.memref_slice %arg6[%dma_start3A_80, %dma_start3A_81] : memref<320x128xf32, #tpu.memory_space<vmem>> -> memref<32x128xf32, #tpu.memory_space<vmem>>
      %dma_start3A_83 = arith.constant 0 : i32
      %dma_start3A_84 = tpu.memref_slice %arg5[%dma_start3A_79, %dma_start3A_83] : memref<10x32xi32, #tpu.memory_space<vmem>> -> memref<1x32xi32, #tpu.memory_space<vmem>>
      %dma_start3A_85 = tpu.memref_squeeze %dma_start3A_84 : memref<1x32xi32, #tpu.memory_space<vmem>> -> memref<32xi32, #tpu.memory_space<vmem>>
      %dma_start3A_86 = arith.constant 0 : i32
      %dma_start3A_87 = arith.constant 0 : i32
      %dma_start3A_88 = tpu.memref_slice %arg2[%dma_start3A_86, %dma_start3A_87] : memref<50000x128xf32, #tpu.memory_space<hbm>> -> memref<50000x128xf32, #tpu.memory_space<hbm>>
      tpu.enqueue_indirect_dma source(%dma_start3A_88 : memref<50000x128xf32, #tpu.memory_space<hbm>>) target(%dma_start3A_82 : memref<32x128xf32, #tpu.memory_space<vmem>>) offsets(%dma_start3A_85 : memref<32xi32, #tpu.memory_space<vmem>>) semaphore(%arg8 : memref<!tpu.dma_semaphore, #tpu.memory_space<semaphore_mem>>)
      %dma_start3A_89 = arith.constant 7 : i32
      %dma_start3A_90 = arith.constant 224 : i32
      %dma_start3A_91 = arith.constant 0 : i32
      %dma_start3A_92 = tpu.memref_slice %arg6[%dma_start3A_90, %dma_start3A_91] : memref<320x128xf32, #tpu.memory_space<vmem>> -> memref<32x128xf32, #tpu.memory_space<vmem>>
      %dma_start3A_93 = arith.constant 0 : i32
      %dma_start3A_94 = tpu.memref_slice %arg5[%dma_start3A_89, %dma_start3A_93] : memref<10x32xi32, #tpu.memory_space<vmem>> -> memref<1x32xi32, #tpu.memory_space<vmem>>
      %dma_start3A_95 = tpu.memref_squeeze %dma_start3A_94 : memref<1x32xi32, #tpu.memory_space<vmem>> -> memref<32xi32, #tpu.memory_space<vmem>>
      %dma_start3A_96 = arith.constant 0 : i32
      %dma_start3A_97 = arith.constant 0 : i32
      %dma_start3A_98 = tpu.memref_slice %arg2[%dma_start3A_96, %dma_start3A_97] : memref<50000x128xf32, #tpu.memory_space<hbm>> -> memref<50000x128xf32, #tpu.memory_space<hbm>>
      tpu.enqueue_indirect_dma source(%dma_start3A_98 : memref<50000x128xf32, #tpu.memory_space<hbm>>) target(%dma_start3A_92 : memref<32x128xf32, #tpu.memory_space<vmem>>) offsets(%dma_start3A_95 : memref<32xi32, #tpu.memory_space<vmem>>) semaphore(%arg8 : memref<!tpu.dma_semaphore, #tpu.memory_space<semaphore_mem>>)
      %dma_start3A_99 = arith.constant 8 : i32
      %dma_start3A_100 = arith.constant 256 : i32
      %dma_start3A_101 = arith.constant 0 : i32
      %dma_start3A_102 = tpu.memref_slice %arg6[%dma_start3A_100, %dma_start3A_101] : memref<320x128xf32, #tpu.memory_space<vmem>> -> memref<32x128xf32, #tpu.memory_space<vmem>>
      %dma_start3A_103 = arith.constant 0 : i32
      %dma_start3A_104 = tpu.memref_slice %arg5[%dma_start3A_99, %dma_start3A_103] : memref<10x32xi32, #tpu.memory_space<vmem>> -> memref<1x32xi32, #tpu.memory_space<vmem>>
      %dma_start3A_105 = tpu.memref_squeeze %dma_start3A_104 : memref<1x32xi32, #tpu.memory_space<vmem>> -> memref<32xi32, #tpu.memory_space<vmem>>
      %dma_start3A_106 = arith.constant 0 : i32
      %dma_start3A_107 = arith.constant 0 : i32
      %dma_start3A_108 = tpu.memref_slice %arg2[%dma_start3A_106, %dma_start3A_107] : memref<50000x128xf32, #tpu.memory_space<hbm>> -> memref<50000x128xf32, #tpu.memory_space<hbm>>
      tpu.enqueue_indirect_dma source(%dma_start3A_108 : memref<50000x128xf32, #tpu.memory_space<hbm>>) target(%dma_start3A_102 : memref<32x128xf32, #tpu.memory_space<vmem>>) offsets(%dma_start3A_105 : memref<32xi32, #tpu.memory_space<vmem>>) semaphore(%arg8 : memref<!tpu.dma_semaphore, #tpu.memory_space<semaphore_mem>>)
      %dma_start3A_109 = arith.constant 9 : i32
      %dma_start3A_110 = arith.constant 288 : i32
      %dma_start3A_111 = arith.constant 0 : i32
      %dma_start3A_112 = tpu.memref_slice %arg6[%dma_start3A_110, %dma_start3A_111] : memref<320x128xf32, #tpu.memory_space<vmem>> -> memref<32x128xf32, #tpu.memory_space<vmem>>
      %dma_start3A_113 = arith.constant 0 : i32
      %dma_start3A_114 = tpu.memref_slice %arg5[%dma_start3A_109, %dma_start3A_113] : memref<10x32xi32, #tpu.memory_space<vmem>> -> memref<1x32xi32, #tpu.memory_space<vmem>>
      %dma_start3A_115 = tpu.memref_squeeze %dma_start3A_114 : memref<1x32xi32, #tpu.memory_space<vmem>> -> memref<32xi32, #tpu.memory_space<vmem>>
      %dma_start3A_116 = arith.constant 0 : i32
      %dma_start3A_117 = arith.constant 0 : i32
      %dma_start3A_118 = tpu.memref_slice %arg2[%dma_start3A_116, %dma_start3A_117] : memref<50000x128xf32, #tpu.memory_space<hbm>> -> memref<50000x128xf32, #tpu.memory_space<hbm>>
      tpu.enqueue_indirect_dma source(%dma_start3A_118 : memref<50000x128xf32, #tpu.memory_space<hbm>>) target(%dma_start3A_112 : memref<32x128xf32, #tpu.memory_space<vmem>>) offsets(%dma_start3A_115 : memref<32xi32, #tpu.memory_space<vmem>>) semaphore(%arg8 : memref<!tpu.dma_semaphore, #tpu.memory_space<semaphore_mem>>)
      %dma_wait3A = arith.constant 0 : i32
      %dma_wait3A_119 = arith.constant 0 : i32
      %dma_wait3A_120 = arith.constant 0 : i32
      %dma_wait3A_121 = tpu.memref_slice %arg6[%dma_wait3A_119, %dma_wait3A_120] : memref<320x128xf32, #tpu.memory_space<vmem>> -> memref<32x128xf32, #tpu.memory_space<vmem>>
      %dma_wait3A_122 = arith.constant 0 : i32
      %dma_wait3A_123 = tpu.memref_slice %arg5[%dma_wait3A, %dma_wait3A_122] : memref<10x32xi32, #tpu.memory_space<vmem>> -> memref<1x32xi32, #tpu.memory_space<vmem>>
      %dma_wait3A_124 = tpu.memref_squeeze %dma_wait3A_123 : memref<1x32xi32, #tpu.memory_space<vmem>> -> memref<32xi32, #tpu.memory_space<vmem>>
      %dma_wait3A_125 = arith.constant 0 : i32
      %dma_wait3A_126 = arith.constant 0 : i32
      %dma_wait3A_127 = tpu.memref_slice %arg2[%dma_wait3A_125, %dma_wait3A_126] : memref<50000x128xf32, #tpu.memory_space<hbm>> -> memref<50000x128xf32, #tpu.memory_space<hbm>>
      tpu.wait_indirect_dma semaphore(%arg8 : memref<!tpu.dma_semaphore, #tpu.memory_space<semaphore_mem>>) src(%dma_wait3A_127 : memref<50000x128xf32, #tpu.memory_space<hbm>>) dst(%dma_wait3A_121 : memref<32x128xf32, #tpu.memory_space<vmem>>)
      %dma_wait3A_128 = arith.constant 1 : i32
      %dma_wait3A_129 = arith.constant 32 : i32
      %dma_wait3A_130 = arith.constant 0 : i32
      %dma_wait3A_131 = tpu.memref_slice %arg6[%dma_wait3A_129, %dma_wait3A_130] : memref<320x128xf32, #tpu.memory_space<vmem>> -> memref<32x128xf32, #tpu.memory_space<vmem>>
      %dma_wait3A_132 = arith.constant 0 : i32
      %dma_wait3A_133 = tpu.memref_slice %arg5[%dma_wait3A_128, %dma_wait3A_132] : memref<10x32xi32, #tpu.memory_space<vmem>> -> memref<1x32xi32, #tpu.memory_space<vmem>>
      %dma_wait3A_134 = tpu.memref_squeeze %dma_wait3A_133 : memref<1x32xi32, #tpu.memory_space<vmem>> -> memref<32xi32, #tpu.memory_space<vmem>>
      %dma_wait3A_135 = arith.constant 0 : i32
      %dma_wait3A_136 = arith.constant 0 : i32
      %dma_wait3A_137 = tpu.memref_slice %arg2[%dma_wait3A_135, %dma_wait3A_136] : memref<50000x128xf32, #tpu.memory_space<hbm>> -> memref<50000x128xf32, #tpu.memory_space<hbm>>
      tpu.wait_indirect_dma semaphore(%arg8 : memref<!tpu.dma_semaphore, #tpu.memory_space<semaphore_mem>>) src(%dma_wait3A_137 : memref<50000x128xf32, #tpu.memory_space<hbm>>) dst(%dma_wait3A_131 : memref<32x128xf32, #tpu.memory_space<vmem>>)
      %dma_wait3A_138 = arith.constant 2 : i32
      %dma_wait3A_139 = arith.constant 64 : i32
      %dma_wait3A_140 = arith.constant 0 : i32
      %dma_wait3A_141 = tpu.memref_slice %arg6[%dma_wait3A_139, %dma_wait3A_140] : memref<320x128xf32, #tpu.memory_space<vmem>> -> memref<32x128xf32, #tpu.memory_space<vmem>>
      %dma_wait3A_142 = arith.constant 0 : i32
      %dma_wait3A_143 = tpu.memref_slice %arg5[%dma_wait3A_138, %dma_wait3A_142] : memref<10x32xi32, #tpu.memory_space<vmem>> -> memref<1x32xi32, #tpu.memory_space<vmem>>
      %dma_wait3A_144 = tpu.memref_squeeze %dma_wait3A_143 : memref<1x32xi32, #tpu.memory_space<vmem>> -> memref<32xi32, #tpu.memory_space<vmem>>
      %dma_wait3A_145 = arith.constant 0 : i32
      %dma_wait3A_146 = arith.constant 0 : i32
      %dma_wait3A_147 = tpu.memref_slice %arg2[%dma_wait3A_145, %dma_wait3A_146] : memref<50000x128xf32, #tpu.memory_space<hbm>> -> memref<50000x128xf32, #tpu.memory_space<hbm>>
      tpu.wait_indirect_dma semaphore(%arg8 : memref<!tpu.dma_semaphore, #tpu.memory_space<semaphore_mem>>) src(%dma_wait3A_147 : memref<50000x128xf32, #tpu.memory_space<hbm>>) dst(%dma_wait3A_141 : memref<32x128xf32, #tpu.memory_space<vmem>>)
      %dma_wait3A_148 = arith.constant 3 : i32
      %dma_wait3A_149 = arith.constant 96 : i32
      %dma_wait3A_150 = arith.constant 0 : i32
      %dma_wait3A_151 = tpu.memref_slice %arg6[%dma_wait3A_149, %dma_wait3A_150] : memref<320x128xf32, #tpu.memory_space<vmem>> -> memref<32x128xf32, #tpu.memory_space<vmem>>
      %dma_wait3A_152 = arith.constant 0 : i32
      %dma_wait3A_153 = tpu.memref_slice %arg5[%dma_wait3A_148, %dma_wait3A_152] : memref<10x32xi32, #tpu.memory_space<vmem>> -> memref<1x32xi32, #tpu.memory_space<vmem>>
      %dma_wait3A_154 = tpu.memref_squeeze %dma_wait3A_153 : memref<1x32xi32, #tpu.memory_space<vmem>> -> memref<32xi32, #tpu.memory_space<vmem>>
      %dma_wait3A_155 = arith.constant 0 : i32
      %dma_wait3A_156 = arith.constant 0 : i32
      %dma_wait3A_157 = tpu.memref_slice %arg2[%dma_wait3A_155, %dma_wait3A_156] : memref<50000x128xf32, #tpu.memory_space<hbm>> -> memref<50000x128xf32, #tpu.memory_space<hbm>>
      tpu.wait_indirect_dma semaphore(%arg8 : memref<!tpu.dma_semaphore, #tpu.memory_space<semaphore_mem>>) src(%dma_wait3A_157 : memref<50000x128xf32, #tpu.memory_space<hbm>>) dst(%dma_wait3A_151 : memref<32x128xf32, #tpu.memory_space<vmem>>)
      %dma_wait3A_158 = arith.constant 4 : i32
      %dma_wait3A_159 = arith.constant 128 : i32
      %dma_wait3A_160 = arith.constant 0 : i32
      %dma_wait3A_161 = tpu.memref_slice %arg6[%dma_wait3A_159, %dma_wait3A_160] : memref<320x128xf32, #tpu.memory_space<vmem>> -> memref<32x128xf32, #tpu.memory_space<vmem>>
      %dma_wait3A_162 = arith.constant 0 : i32
      %dma_wait3A_163 = tpu.memref_slice %arg5[%dma_wait3A_158, %dma_wait3A_162] : memref<10x32xi32, #tpu.memory_space<vmem>> -> memref<1x32xi32, #tpu.memory_space<vmem>>
      %dma_wait3A_164 = tpu.memref_squeeze %dma_wait3A_163 : memref<1x32xi32, #tpu.memory_space<vmem>> -> memref<32xi32, #tpu.memory_space<vmem>>
      %dma_wait3A_165 = arith.constant 0 : i32
      %dma_wait3A_166 = arith.constant 0 : i32
      %dma_wait3A_167 = tpu.memref_slice %arg2[%dma_wait3A_165, %dma_wait3A_166] : memref<50000x128xf32, #tpu.memory_space<hbm>> -> memref<50000x128xf32, #tpu.memory_space<hbm>>
      tpu.wait_indirect_dma semaphore(%arg8 : memref<!tpu.dma_semaphore, #tpu.memory_space<semaphore_mem>>) src(%dma_wait3A_167 : memref<50000x128xf32, #tpu.memory_space<hbm>>) dst(%dma_wait3A_161 : memref<32x128xf32, #tpu.memory_space<vmem>>)
      %dma_wait3A_168 = arith.constant 5 : i32
      %dma_wait3A_169 = arith.constant 160 : i32
      %dma_wait3A_170 = arith.constant 0 : i32
      %dma_wait3A_171 = tpu.memref_slice %arg6[%dma_wait3A_169, %dma_wait3A_170] : memref<320x128xf32, #tpu.memory_space<vmem>> -> memref<32x128xf32, #tpu.memory_space<vmem>>
      %dma_wait3A_172 = arith.constant 0 : i32
      %dma_wait3A_173 = tpu.memref_slice %arg5[%dma_wait3A_168, %dma_wait3A_172] : memref<10x32xi32, #tpu.memory_space<vmem>> -> memref<1x32xi32, #tpu.memory_space<vmem>>
      %dma_wait3A_174 = tpu.memref_squeeze %dma_wait3A_173 : memref<1x32xi32, #tpu.memory_space<vmem>> -> memref<32xi32, #tpu.memory_space<vmem>>
      %dma_wait3A_175 = arith.constant 0 : i32
      %dma_wait3A_176 = arith.constant 0 : i32
      %dma_wait3A_177 = tpu.memref_slice %arg2[%dma_wait3A_175, %dma_wait3A_176] : memref<50000x128xf32, #tpu.memory_space<hbm>> -> memref<50000x128xf32, #tpu.memory_space<hbm>>
      tpu.wait_indirect_dma semaphore(%arg8 : memref<!tpu.dma_semaphore, #tpu.memory_space<semaphore_mem>>) src(%dma_wait3A_177 : memref<50000x128xf32, #tpu.memory_space<hbm>>) dst(%dma_wait3A_171 : memref<32x128xf32, #tpu.memory_space<vmem>>)
      %dma_wait3A_178 = arith.constant 6 : i32
      %dma_wait3A_179 = arith.constant 192 : i32
      %dma_wait3A_180 = arith.constant 0 : i32
      %dma_wait3A_181 = tpu.memref_slice %arg6[%dma_wait3A_179, %dma_wait3A_180] : memref<320x128xf32, #tpu.memory_space<vmem>> -> memref<32x128xf32, #tpu.memory_space<vmem>>
      %dma_wait3A_182 = arith.constant 0 : i32
      %dma_wait3A_183 = tpu.memref_slice %arg5[%dma_wait3A_178, %dma_wait3A_182] : memref<10x32xi32, #tpu.memory_space<vmem>> -> memref<1x32xi32, #tpu.memory_space<vmem>>
      %dma_wait3A_184 = tpu.memref_squeeze %dma_wait3A_183 : memref<1x32xi32, #tpu.memory_space<vmem>> -> memref<32xi32, #tpu.memory_space<vmem>>
      %dma_wait3A_185 = arith.constant 0 : i32
      %dma_wait3A_186 = arith.constant 0 : i32
      %dma_wait3A_187 = tpu.memref_slice %arg2[%dma_wait3A_185, %dma_wait3A_186] : memref<50000x128xf32, #tpu.memory_space<hbm>> -> memref<50000x128xf32, #tpu.memory_space<hbm>>
      tpu.wait_indirect_dma semaphore(%arg8 : memref<!tpu.dma_semaphore, #tpu.memory_space<semaphore_mem>>) src(%dma_wait3A_187 : memref<50000x128xf32, #tpu.memory_space<hbm>>) dst(%dma_wait3A_181 : memref<32x128xf32, #tpu.memory_space<vmem>>)
      %dma_wait3A_188 = arith.constant 7 : i32
      %dma_wait3A_189 = arith.constant 224 : i32
      %dma_wait3A_190 = arith.constant 0 : i32
      %dma_wait3A_191 = tpu.memref_slice %arg6[%dma_wait3A_189, %dma_wait3A_190] : memref<320x128xf32, #tpu.memory_space<vmem>> -> memref<32x128xf32, #tpu.memory_space<vmem>>
      %dma_wait3A_192 = arith.constant 0 : i32
      %dma_wait3A_193 = tpu.memref_slice %arg5[%dma_wait3A_188, %dma_wait3A_192] : memref<10x32xi32, #tpu.memory_space<vmem>> -> memref<1x32xi32, #tpu.memory_space<vmem>>
      %dma_wait3A_194 = tpu.memref_squeeze %dma_wait3A_193 : memref<1x32xi32, #tpu.memory_space<vmem>> -> memref<32xi32, #tpu.memory_space<vmem>>
      %dma_wait3A_195 = arith.constant 0 : i32
      %dma_wait3A_196 = arith.constant 0 : i32
      %dma_wait3A_197 = tpu.memref_slice %arg2[%dma_wait3A_195, %dma_wait3A_196] : memref<50000x128xf32, #tpu.memory_space<hbm>> -> memref<50000x128xf32, #tpu.memory_space<hbm>>
      tpu.wait_indirect_dma semaphore(%arg8 : memref<!tpu.dma_semaphore, #tpu.memory_space<semaphore_mem>>) src(%dma_wait3A_197 : memref<50000x128xf32, #tpu.memory_space<hbm>>) dst(%dma_wait3A_191 : memref<32x128xf32, #tpu.memory_space<vmem>>)
      %dma_wait3A_198 = arith.constant 8 : i32
      %dma_wait3A_199 = arith.constant 256 : i32
      %dma_wait3A_200 = arith.constant 0 : i32
      %dma_wait3A_201 = tpu.memref_slice %arg6[%dma_wait3A_199, %dma_wait3A_200] : memref<320x128xf32, #tpu.memory_space<vmem>> -> memref<32x128xf32, #tpu.memory_space<vmem>>
      %dma_wait3A_202 = arith.constant 0 : i32
      %dma_wait3A_203 = tpu.memref_slice %arg5[%dma_wait3A_198, %dma_wait3A_202] : memref<10x32xi32, #tpu.memory_space<vmem>> -> memref<1x32xi32, #tpu.memory_space<vmem>>
      %dma_wait3A_204 = tpu.memref_squeeze %dma_wait3A_203 : memref<1x32xi32, #tpu.memory_space<vmem>> -> memref<32xi32, #tpu.memory_space<vmem>>
      %dma_wait3A_205 = arith.constant 0 : i32
      %dma_wait3A_206 = arith.constant 0 : i32
      %dma_wait3A_207 = tpu.memref_slice %arg2[%dma_wait3A_205, %dma_wait3A_206] : memref<50000x128xf32, #tpu.memory_space<hbm>> -> memref<50000x128xf32, #tpu.memory_space<hbm>>
      tpu.wait_indirect_dma semaphore(%arg8 : memref<!tpu.dma_semaphore, #tpu.memory_space<semaphore_mem>>) src(%dma_wait3A_207 : memref<50000x128xf32, #tpu.memory_space<hbm>>) dst(%dma_wait3A_201 : memref<32x128xf32, #tpu.memory_space<vmem>>)
      %dma_wait3A_208 = arith.constant 9 : i32
      %dma_wait3A_209 = arith.constant 288 : i32
      %dma_wait3A_210 = arith.constant 0 : i32
      %dma_wait3A_211 = tpu.memref_slice %arg6[%dma_wait3A_209, %dma_wait3A_210] : memref<320x128xf32, #tpu.memory_space<vmem>> -> memref<32x128xf32, #tpu.memory_space<vmem>>
      %dma_wait3A_212 = arith.constant 0 : i32
      %dma_wait3A_213 = tpu.memref_slice %arg5[%dma_wait3A_208, %dma_wait3A_212] : memref<10x32xi32, #tpu.memory_space<vmem>> -> memref<1x32xi32, #tpu.memory_space<vmem>>
      %dma_wait3A_214 = tpu.memref_squeeze %dma_wait3A_213 : memref<1x32xi32, #tpu.memory_space<vmem>> -> memref<32xi32, #tpu.memory_space<vmem>>
      %dma_wait3A_215 = arith.constant 0 : i32
      %dma_wait3A_216 = arith.constant 0 : i32
      %dma_wait3A_217 = tpu.memref_slice %arg2[%dma_wait3A_215, %dma_wait3A_216] : memref<50000x128xf32, #tpu.memory_space<hbm>> -> memref<50000x128xf32, #tpu.memory_space<hbm>>
      tpu.wait_indirect_dma semaphore(%arg8 : memref<!tpu.dma_semaphore, #tpu.memory_space<semaphore_mem>>) src(%dma_wait3A_217 : memref<50000x128xf32, #tpu.memory_space<hbm>>) dst(%dma_wait3A_211 : memref<32x128xf32, #tpu.memory_space<vmem>>)
      %scan3A = arith.constant 0 : i32
      %scan3A_218 = arith.constant 0 : i32
      %scan3A_219 = arith.constant 32 : i32
      %scan3A_220 = arith.addi %scan3A_218, %scan3A_219 : i32
      %scan3A_221 = arith.constant 1 : i32
      scf.for %scan3A_225 = %scan3A_218 to %scan3A_220 step %scan3A_221  : i32 {
        %get3A = arith.index_cast %scan3A_225 : i32 to index
        %get3A_226 = arith.constant 0 : index
        %get3A_227 = tpu.vector_load %arg6[%get3A, %get3A_226] {strides = array<i32>} : memref<320x128xf32, #tpu.memory_space<vmem>>, vector<1x16xf32>,
        %get3A_228 = vector.shape_cast %get3A_227 : vector<1x16xf32> to vector<16xf32>
        %add3A_229 = arith.constant 32 : i32
        %add3A_230 = arith.addi %add3A_229, %scan3A_225 : i32
        %get3A_231 = arith.index_cast %add3A_230 : i32 to index
        %get3A_232 = arith.constant 0 : index
        %get3A_233 = tpu.vector_load %arg6[%get3A_231, %get3A_232] {strides = array<i32>} : memref<320x128xf32, #tpu.memory_space<vmem>>, vector<1x16xf32>,
        %get3A_234 = vector.shape_cast %get3A_233 : vector<1x16xf32> to vector<16xf32>
        %max3A = arith.maximumf %get3A_228, %get3A_234 : vector<16xf32>
        %add3A_235 = arith.constant 64 : i32
        %add3A_236 = arith.addi %add3A_235, %scan3A_225 : i32
        %get3A_237 = arith.index_cast %add3A_236 : i32 to index
        %get3A_238 = arith.constant 0 : index
        %get3A_239 = tpu.vector_load %arg6[%get3A_237, %get3A_238] {strides = array<i32>} : memref<320x128xf32, #tpu.memory_space<vmem>>, vector<1x16xf32>,
        %get3A_240 = vector.shape_cast %get3A_239 : vector<1x16xf32> to vector<16xf32>
        %max3A_241 = arith.maximumf %max3A, %get3A_240 : vector<16xf32>
        %add3A_242 = arith.constant 96 : i32
        %add3A_243 = arith.addi %add3A_242, %scan3A_225 : i32
        %get3A_244 = arith.index_cast %add3A_243 : i32 to index
        %get3A_245 = arith.constant 0 : index
        %get3A_246 = tpu.vector_load %arg6[%get3A_244, %get3A_245] {strides = array<i32>} : memref<320x128xf32, #tpu.memory_space<vmem>>, vector<1x16xf32>,
        %get3A_247 = vector.shape_cast %get3A_246 : vector<1x16xf32> to vector<16xf32>
        %max3A_248 = arith.maximumf %max3A_241, %get3A_247 : vector<16xf32>
        %add3A_249 = arith.constant 128 : i32
        %add3A_250 = arith.addi %add3A_249, %scan3A_225 : i32
        %get3A_251 = arith.index_cast %add3A_250 : i32 to index
        %get3A_252 = arith.constant 0 : index
        %get3A_253 = tpu.vector_load %arg6[%get3A_251, %get3A_252] {strides = array<i32>} : memref<320x128xf32, #tpu.memory_space<vmem>>, vector<1x16xf32>,
        %get3A_254 = vector.shape_cast %get3A_253 : vector<1x16xf32> to vector<16xf32>
        %max3A_255 = arith.maximumf %max3A_248, %get3A_254 : vector<16xf32>
        %add3A_256 = arith.constant 160 : i32
        %add3A_257 = arith.addi %add3A_256, %scan3A_225 : i32
        %get3A_258 = arith.index_cast %add3A_257 : i32 to index
        %get3A_259 = arith.constant 0 : index
        %get3A_260 = tpu.vector_load %arg6[%get3A_258, %get3A_259] {strides = array<i32>} : memref<320x128xf32, #tpu.memory_space<vmem>>, vector<1x16xf32>,
        %get3A_261 = vector.shape_cast %get3A_260 : vector<1x16xf32> to vector<16xf32>
        %max3A_262 = arith.maximumf %max3A_255, %get3A_261 : vector<16xf32>
        %add3A_263 = arith.constant 192 : i32
        %add3A_264 = arith.addi %add3A_263, %scan3A_225 : i32
        %get3A_265 = arith.index_cast %add3A_264 : i32 to index
        %get3A_266 = arith.constant 0 : index
        %get3A_267 = tpu.vector_load %arg6[%get3A_265, %get3A_266] {strides = array<i32>} : memref<320x128xf32, #tpu.memory_space<vmem>>, vector<1x16xf32>,
        %get3A_268 = vector.shape_cast %get3A_267 : vector<1x16xf32> to vector<16xf32>
        %max3A_269 = arith.maximumf %max3A_262, %get3A_268 : vector<16xf32>
        %add3A_270 = arith.constant 224 : i32
        %add3A_271 = arith.addi %add3A_270, %scan3A_225 : i32
        %get3A_272 = arith.index_cast %add3A_271 : i32 to index
        %get3A_273 = arith.constant 0 : index
        %get3A_274 = tpu.vector_load %arg6[%get3A_272, %get3A_273] {strides = array<i32>} : memref<320x128xf32, #tpu.memory_space<vmem>>, vector<1x16xf32>,
        %get3A_275 = vector.shape_cast %get3A_274 : vector<1x16xf32> to vector<16xf32>
        %max3A_276 = arith.maximumf %max3A_269, %get3A_275 : vector<16xf32>
        %add3A_277 = arith.constant 256 : i32
        %add3A_278 = arith.addi %add3A_277, %scan3A_225 : i32
        %get3A_279 = arith.index_cast %add3A_278 : i32 to index
        %get3A_280 = arith.constant 0 : index
        %get3A_281 = tpu.vector_load %arg6[%get3A_279, %get3A_280] {strides = array<i32>} : memref<320x128xf32, #tpu.memory_space<vmem>>, vector<1x16xf32>,
        %get3A_282 = vector.shape_cast %get3A_281 : vector<1x16xf32> to vector<16xf32>
        %max3A_283 = arith.maximumf %max3A_276, %get3A_282 : vector<16xf32>
        %add3A_284 = arith.constant 288 : i32
        %add3A_285 = arith.addi %add3A_284, %scan3A_225 : i32
        %get3A_286 = arith.index_cast %add3A_285 : i32 to index
        %get3A_287 = arith.constant 0 : index
        %get3A_288 = tpu.vector_load %arg6[%get3A_286, %get3A_287] {strides = array<i32>} : memref<320x128xf32, #tpu.memory_space<vmem>>, vector<1x16xf32>,
        %get3A_289 = vector.shape_cast %get3A_288 : vector<1x16xf32> to vector<16xf32>
        %max3A_290 = arith.maximumf %max3A_283, %get3A_289 : vector<16xf32>
        %swap3A = arith.index_cast %scan3A_225 : i32 to index
        %swap3A_291 = arith.constant 0 : index
        %swap3A_292 = tpu.vector_load %arg7[%swap3A, %swap3A_291] {strides = array<i32>} : memref<32x128xf32, #tpu.memory_space<vmem>>, vector<1x16xf32>,
        %swap3A_293 = vector.shape_cast %swap3A_292 : vector<1x16xf32> to vector<16xf32>
        %swap3A_294 = vector.shape_cast %max3A_290 : vector<16xf32> to vector<1x16xf32>
        tpu.vector_store %arg7[%swap3A, %swap3A_291], %swap3A_294 {strides = array<i32>} : memref<32x128xf32, #tpu.memory_space<vmem>>, vector<1x16xf32>,
        %get3A_295 = arith.index_cast %scan3A_225 : i32 to index
        %get3A_296 = arith.constant 16 : index
        %get3A_297 = tpu.vector_load %arg6[%get3A_295, %get3A_296] {strides = array<i32>} : memref<320x128xf32, #tpu.memory_space<vmem>>, vector<1x16xf32>,
        %get3A_298 = vector.shape_cast %get3A_297 : vector<1x16xf32> to vector<16xf32>
        %add3A_299 = arith.constant 32 : i32
        %add3A_300 = arith.addi %add3A_299, %scan3A_225 : i32
        %get3A_301 = arith.index_cast %add3A_300 : i32 to index
        %get3A_302 = arith.constant 16 : index
        %get3A_303 = tpu.vector_load %arg6[%get3A_301, %get3A_302] {strides = array<i32>} : memref<320x128xf32, #tpu.memory_space<vmem>>, vector<1x16xf32>,
        %get3A_304 = vector.shape_cast %get3A_303 : vector<1x16xf32> to vector<16xf32>
        %max3A_305 = arith.maximumf %get3A_298, %get3A_304 : vector<16xf32>
        %add3A_306 = arith.constant 64 : i32
        %add3A_307 = arith.addi %add3A_306, %scan3A_225 : i32
        %get3A_308 = arith.index_cast %add3A_307 : i32 to index
        %get3A_309 = arith.constant 16 : index
        %get3A_310 = tpu.vector_load %arg6[%get3A_308, %get3A_309] {strides = array<i32>} : memref<320x128xf32, #tpu.memory_space<vmem>>, vector<1x16xf32>,
        %get3A_311 = vector.shape_cast %get3A_310 : vector<1x16xf32> to vector<16xf32>
        %max3A_312 = arith.maximumf %max3A_305, %get3A_311 : vector<16xf32>
        %add3A_313 = arith.constant 96 : i32
        %add3A_314 = arith.addi %add3A_313, %scan3A_225 : i32
        %get3A_315 = arith.index_cast %add3A_314 : i32 to index
        %get3A_316 = arith.constant 16 : index
        %get3A_317 = tpu.vector_load %arg6[%get3A_315, %get3A_316] {strides = array<i32>} : memref<320x128xf32, #tpu.memory_space<vmem>>, vector<1x16xf32>,
        %get3A_318 = vector.shape_cast %get3A_317 : vector<1x16xf32> to vector<16xf32>
        %max3A_319 = arith.maximumf %max3A_312, %get3A_318 : vector<16xf32>
        %add3A_320 = arith.constant 128 : i32
        %add3A_321 = arith.addi %add3A_320, %scan3A_225 : i32
        %get3A_322 = arith.index_cast %add3A_321 : i32 to index
        %get3A_323 = arith.constant 16 : index
        %get3A_324 = tpu.vector_load %arg6[%get3A_322, %get3A_323] {strides = array<i32>} : memref<320x128xf32, #tpu.memory_space<vmem>>, vector<1x16xf32>,
        %get3A_325 = vector.shape_cast %get3A_324 : vector<1x16xf32> to vector<16xf32>
        %max3A_326 = arith.maximumf %max3A_319, %get3A_325 : vector<16xf32>
        %add3A_327 = arith.constant 160 : i32
        %add3A_328 = arith.addi %add3A_327, %scan3A_225 : i32
        %get3A_329 = arith.index_cast %add3A_328 : i32 to index
        %get3A_330 = arith.constant 16 : index
        %get3A_331 = tpu.vector_load %arg6[%get3A_329, %get3A_330] {strides = array<i32>} : memref<320x128xf32, #tpu.memory_space<vmem>>, vector<1x16xf32>,
        %get3A_332 = vector.shape_cast %get3A_331 : vector<1x16xf32> to vector<16xf32>
        %max3A_333 = arith.maximumf %max3A_326, %get3A_332 : vector<16xf32>
        %add3A_334 = arith.constant 192 : i32
        %add3A_335 = arith.addi %add3A_334, %scan3A_225 : i32
        %get3A_336 = arith.index_cast %add3A_335 : i32 to index
        %get3A_337 = arith.constant 16 : index
        %get3A_338 = tpu.vector_load %arg6[%get3A_336, %get3A_337] {strides = array<i32>} : memref<320x128xf32, #tpu.memory_space<vmem>>, vector<1x16xf32>,
        %get3A_339 = vector.shape_cast %get3A_338 : vector<1x16xf32> to vector<16xf32>
        %max3A_340 = arith.maximumf %max3A_333, %get3A_339 : vector<16xf32>
        %add3A_341 = arith.constant 224 : i32
        %add3A_342 = arith.addi %add3A_341, %scan3A_225 : i32
        %get3A_343 = arith.index_cast %add3A_342 : i32 to index
        %get3A_344 = arith.constant 16 : index
        %get3A_345 = tpu.vector_load %arg6[%get3A_343, %get3A_344] {strides = array<i32>} : memref<320x128xf32, #tpu.memory_space<vmem>>, vector<1x16xf32>,
        %get3A_346 = vector.shape_cast %get3A_345 : vector<1x16xf32> to vector<16xf32>
        %max3A_347 = arith.maximumf %max3A_340, %get3A_346 : vector<16xf32>
        %add3A_348 = arith.constant 256 : i32
        %add3A_349 = arith.addi %add3A_348, %scan3A_225 : i32
        %get3A_350 = arith.index_cast %add3A_349 : i32 to index
        %get3A_351 = arith.constant 16 : index
        %get3A_352 = tpu.vector_load %arg6[%get3A_350, %get3A_351] {strides = array<i32>} : memref<320x128xf32, #tpu.memory_space<vmem>>, vector<1x16xf32>,
        %get3A_353 = vector.shape_cast %get3A_352 : vector<1x16xf32> to vector<16xf32>
        %max3A_354 = arith.maximumf %max3A_347, %get3A_353 : vector<16xf32>
        %add3A_355 = arith.constant 288 : i32
        %add3A_356 = arith.addi %add3A_355, %scan3A_225 : i32
        %get3A_357 = arith.index_cast %add3A_356 : i32 to index
        %get3A_358 = arith.constant 16 : index
        %get3A_359 = tpu.vector_load %arg6[%get3A_357, %get3A_358] {strides = array<i32>} : memref<320x128xf32, #tpu.memory_space<vmem>>, vector<1x16xf32>,
        %get3A_360 = vector.shape_cast %get3A_359 : vector<1x16xf32> to vector<16xf32>
        %max3A_361 = arith.maximumf %max3A_354, %get3A_360 : vector<16xf32>
        %swap3A_362 = arith.index_cast %scan3A_225 : i32 to index
        %swap3A_363 = arith.constant 16 : index
        %swap3A_364 = tpu.vector_load %arg7[%swap3A_362, %swap3A_363] {strides = array<i32>} : memref<32x128xf32, #tpu.memory_space<vmem>>, vector<1x16xf32>,
        %swap3A_365 = vector.shape_cast %swap3A_364 : vector<1x16xf32> to vector<16xf32>
        %swap3A_366 = vector.shape_cast %max3A_361 : vector<16xf32> to vector<1x16xf32>
        tpu.vector_store %arg7[%swap3A_362, %swap3A_363], %swap3A_366 {strides = array<i32>} : memref<32x128xf32, #tpu.memory_space<vmem>>, vector<1x16xf32>,
        %get3A_367 = arith.index_cast %scan3A_225 : i32 to index
        %get3A_368 = arith.constant 32 : index
        %get3A_369 = tpu.vector_load %arg6[%get3A_367, %get3A_368] {strides = array<i32>} : memref<320x128xf32, #tpu.memory_space<vmem>>, vector<1x16xf32>,
        %get3A_370 = vector.shape_cast %get3A_369 : vector<1x16xf32> to vector<16xf32>
        %add3A_371 = arith.constant 32 : i32
        %add3A_372 = arith.addi %add3A_371, %scan3A_225 : i32
        %get3A_373 = arith.index_cast %add3A_372 : i32 to index
        %get3A_374 = arith.constant 32 : index
        %get3A_375 = tpu.vector_load %arg6[%get3A_373, %get3A_374] {strides = array<i32>} : memref<320x128xf32, #tpu.memory_space<vmem>>, vector<1x16xf32>,
        %get3A_376 = vector.shape_cast %get3A_375 : vector<1x16xf32> to vector<16xf32>
        %max3A_377 = arith.maximumf %get3A_370, %get3A_376 : vector<16xf32>
        %add3A_378 = arith.constant 64 : i32
        %add3A_379 = arith.addi %add3A_378, %scan3A_225 : i32
        %get3A_380 = arith.index_cast %add3A_379 : i32 to index
        %get3A_381 = arith.constant 32 : index
        %get3A_382 = tpu.vector_load %arg6[%get3A_380, %get3A_381] {strides = array<i32>} : memref<320x128xf32, #tpu.memory_space<vmem>>, vector<1x16xf32>,
        %get3A_383 = vector.shape_cast %get3A_382 : vector<1x16xf32> to vector<16xf32>
        %max3A_384 = arith.maximumf %max3A_377, %get3A_383 : vector<16xf32>
        %add3A_385 = arith.constant 96 : i32
        %add3A_386 = arith.addi %add3A_385, %scan3A_225 : i32
        %get3A_387 = arith.index_cast %add3A_386 : i32 to index
        %get3A_388 = arith.constant 32 : index
        %get3A_389 = tpu.vector_load %arg6[%get3A_387, %get3A_388] {strides = array<i32>} : memref<320x128xf32, #tpu.memory_space<vmem>>, vector<1x16xf32>,
        %get3A_390 = vector.shape_cast %get3A_389 : vector<1x16xf32> to vector<16xf32>
        %max3A_391 = arith.maximumf %max3A_384, %get3A_390 : vector<16xf32>
        %add3A_392 = arith.constant 128 : i32
        %add3A_393 = arith.addi %add3A_392, %scan3A_225 : i32
        %get3A_394 = arith.index_cast %add3A_393 : i32 to index
        %get3A_395 = arith.constant 32 : index
        %get3A_396 = tpu.vector_load %arg6[%get3A_394, %get3A_395] {strides = array<i32>} : memref<320x128xf32, #tpu.memory_space<vmem>>, vector<1x16xf32>,
        %get3A_397 = vector.shape_cast %get3A_396 : vector<1x16xf32> to vector<16xf32>
        %max3A_398 = arith.maximumf %max3A_391, %get3A_397 : vector<16xf32>
        %add3A_399 = arith.constant 160 : i32
        %add3A_400 = arith.addi %add3A_399, %scan3A_225 : i32
        %get3A_401 = arith.index_cast %add3A_400 : i32 to index
        %get3A_402 = arith.constant 32 : index
        %get3A_403 = tpu.vector_load %arg6[%get3A_401, %get3A_402] {strides = array<i32>} : memref<320x128xf32, #tpu.memory_space<vmem>>, vector<1x16xf32>,
        %get3A_404 = vector.shape_cast %get3A_403 : vector<1x16xf32> to vector<16xf32>
        %max3A_405 = arith.maximumf %max3A_398, %get3A_404 : vector<16xf32>
        %add3A_406 = arith.constant 192 : i32
        %add3A_407 = arith.addi %add3A_406, %scan3A_225 : i32
        %get3A_408 = arith.index_cast %add3A_407 : i32 to index
        %get3A_409 = arith.constant 32 : index
        %get3A_410 = tpu.vector_load %arg6[%get3A_408, %get3A_409] {strides = array<i32>} : memref<320x128xf32, #tpu.memory_space<vmem>>, vector<1x16xf32>,
        %get3A_411 = vector.shape_cast %get3A_410 : vector<1x16xf32> to vector<16xf32>
        %max3A_412 = arith.maximumf %max3A_405, %get3A_411 : vector<16xf32>
        %add3A_413 = arith.constant 224 : i32
        %add3A_414 = arith.addi %add3A_413, %scan3A_225 : i32
        %get3A_415 = arith.index_cast %add3A_414 : i32 to index
        %get3A_416 = arith.constant 32 : index
        %get3A_417 = tpu.vector_load %arg6[%get3A_415, %get3A_416] {strides = array<i32>} : memref<320x128xf32, #tpu.memory_space<vmem>>, vector<1x16xf32>,
        %get3A_418 = vector.shape_cast %get3A_417 : vector<1x16xf32> to vector<16xf32>
        %max3A_419 = arith.maximumf %max3A_412, %get3A_418 : vector<16xf32>
        %add3A_420 = arith.constant 256 : i32
        %add3A_421 = arith.addi %add3A_420, %scan3A_225 : i32
        %get3A_422 = arith.index_cast %add3A_421 : i32 to index
        %get3A_423 = arith.constant 32 : index
        %get3A_424 = tpu.vector_load %arg6[%get3A_422, %get3A_423] {strides = array<i32>} : memref<320x128xf32, #tpu.memory_space<vmem>>, vector<1x16xf32>,
        %get3A_425 = vector.shape_cast %get3A_424 : vector<1x16xf32> to vector<16xf32>
        %max3A_426 = arith.maximumf %max3A_419, %get3A_425 : vector<16xf32>
        %add3A_427 = arith.constant 288 : i32
        %add3A_428 = arith.addi %add3A_427, %scan3A_225 : i32
        %get3A_429 = arith.index_cast %add3A_428 : i32 to index
        %get3A_430 = arith.constant 32 : index
        %get3A_431 = tpu.vector_load %arg6[%get3A_429, %get3A_430] {strides = array<i32>} : memref<320x128xf32, #tpu.memory_space<vmem>>, vector<1x16xf32>,
        %get3A_432 = vector.shape_cast %get3A_431 : vector<1x16xf32> to vector<16xf32>
        %max3A_433 = arith.maximumf %max3A_426, %get3A_432 : vector<16xf32>
        %swap3A_434 = arith.index_cast %scan3A_225 : i32 to index
        %swap3A_435 = arith.constant 32 : index
        %swap3A_436 = tpu.vector_load %arg7[%swap3A_434, %swap3A_435] {strides = array<i32>} : memref<32x128xf32, #tpu.memory_space<vmem>>, vector<1x16xf32>,
        %swap3A_437 = vector.shape_cast %swap3A_436 : vector<1x16xf32> to vector<16xf32>
        %swap3A_438 = vector.shape_cast %max3A_433 : vector<16xf32> to vector<1x16xf32>
        tpu.vector_store %arg7[%swap3A_434, %swap3A_435], %swap3A_438 {strides = array<i32>} : memref<32x128xf32, #tpu.memory_space<vmem>>, vector<1x16xf32>,
        %get3A_439 = arith.index_cast %scan3A_225 : i32 to index
        %get3A_440 = arith.constant 48 : index
        %get3A_441 = tpu.vector_load %arg6[%get3A_439, %get3A_440] {strides = array<i32>} : memref<320x128xf32, #tpu.memory_space<vmem>>, vector<1x16xf32>,
        %get3A_442 = vector.shape_cast %get3A_441 : vector<1x16xf32> to vector<16xf32>
        %add3A_443 = arith.constant 32 : i32
        %add3A_444 = arith.addi %add3A_443, %scan3A_225 : i32
        %get3A_445 = arith.index_cast %add3A_444 : i32 to index
        %get3A_446 = arith.constant 48 : index
        %get3A_447 = tpu.vector_load %arg6[%get3A_445, %get3A_446] {strides = array<i32>} : memref<320x128xf32, #tpu.memory_space<vmem>>, vector<1x16xf32>,
        %get3A_448 = vector.shape_cast %get3A_447 : vector<1x16xf32> to vector<16xf32>
        %max3A_449 = arith.maximumf %get3A_442, %get3A_448 : vector<16xf32>
        %add3A_450 = arith.constant 64 : i32
        %add3A_451 = arith.addi %add3A_450, %scan3A_225 : i32
        %get3A_452 = arith.index_cast %add3A_451 : i32 to index
        %get3A_453 = arith.constant 48 : index
        %get3A_454 = tpu.vector_load %arg6[%get3A_452, %get3A_453] {strides = array<i32>} : memref<320x128xf32, #tpu.memory_space<vmem>>, vector<1x16xf32>,
        %get3A_455 = vector.shape_cast %get3A_454 : vector<1x16xf32> to vector<16xf32>
        %max3A_456 = arith.maximumf %max3A_449, %get3A_455 : vector<16xf32>
        %add3A_457 = arith.constant 96 : i32
        %add3A_458 = arith.addi %add3A_457, %scan3A_225 : i32
        %get3A_459 = arith.index_cast %add3A_458 : i32 to index
        %get3A_460 = arith.constant 48 : index
        %get3A_461 = tpu.vector_load %arg6[%get3A_459, %get3A_460] {strides = array<i32>} : memref<320x128xf32, #tpu.memory_space<vmem>>, vector<1x16xf32>,
        %get3A_462 = vector.shape_cast %get3A_461 : vector<1x16xf32> to vector<16xf32>
        %max3A_463 = arith.maximumf %max3A_456, %get3A_462 : vector<16xf32>
        %add3A_464 = arith.constant 128 : i32
        %add3A_465 = arith.addi %add3A_464, %scan3A_225 : i32
        %get3A_466 = arith.index_cast %add3A_465 : i32 to index
        %get3A_467 = arith.constant 48 : index
        %get3A_468 = tpu.vector_load %arg6[%get3A_466, %get3A_467] {strides = array<i32>} : memref<320x128xf32, #tpu.memory_space<vmem>>, vector<1x16xf32>,
        %get3A_469 = vector.shape_cast %get3A_468 : vector<1x16xf32> to vector<16xf32>
        %max3A_470 = arith.maximumf %max3A_463, %get3A_469 : vector<16xf32>
        %add3A_471 = arith.constant 160 : i32
        %add3A_472 = arith.addi %add3A_471, %scan3A_225 : i32
        %get3A_473 = arith.index_cast %add3A_472 : i32 to index
        %get3A_474 = arith.constant 48 : index
        %get3A_475 = tpu.vector_load %arg6[%get3A_473, %get3A_474] {strides = array<i32>} : memref<320x128xf32, #tpu.memory_space<vmem>>, vector<1x16xf32>,
        %get3A_476 = vector.shape_cast %get3A_475 : vector<1x16xf32> to vector<16xf32>
        %max3A_477 = arith.maximumf %max3A_470, %get3A_476 : vector<16xf32>
        %add3A_478 = arith.constant 192 : i32
        %add3A_479 = arith.addi %add3A_478, %scan3A_225 : i32
        %get3A_480 = arith.index_cast %add3A_479 : i32 to index
        %get3A_481 = arith.constant 48 : index
        %get3A_482 = tpu.vector_load %arg6[%get3A_480, %get3A_481] {strides = array<i32>} : memref<320x128xf32, #tpu.memory_space<vmem>>, vector<1x16xf32>,
        %get3A_483 = vector.shape_cast %get3A_482 : vector<1x16xf32> to vector<16xf32>
        %max3A_484 = arith.maximumf %max3A_477, %get3A_483 : vector<16xf32>
        %add3A_485 = arith.constant 224 : i32
        %add3A_486 = arith.addi %add3A_485, %scan3A_225 : i32
        %get3A_487 = arith.index_cast %add3A_486 : i32 to index
        %get3A_488 = arith.constant 48 : index
        %get3A_489 = tpu.vector_load %arg6[%get3A_487, %get3A_488] {strides = array<i32>} : memref<320x128xf32, #tpu.memory_space<vmem>>, vector<1x16xf32>,
        %get3A_490 = vector.shape_cast %get3A_489 : vector<1x16xf32> to vector<16xf32>
        %max3A_491 = arith.maximumf %max3A_484, %get3A_490 : vector<16xf32>
        %add3A_492 = arith.constant 256 : i32
        %add3A_493 = arith.addi %add3A_492, %scan3A_225 : i32
        %get3A_494 = arith.index_cast %add3A_493 : i32 to index
        %get3A_495 = arith.constant 48 : index
        %get3A_496 = tpu.vector_load %arg6[%get3A_494, %get3A_495] {strides = array<i32>} : memref<320x128xf32, #tpu.memory_space<vmem>>, vector<1x16xf32>,
        %get3A_497 = vector.shape_cast %get3A_496 : vector<1x16xf32> to vector<16xf32>
        %max3A_498 = arith.maximumf %max3A_491, %get3A_497 : vector<16xf32>
        %add3A_499 = arith.constant 288 : i32
        %add3A_500 = arith.addi %add3A_499, %scan3A_225 : i32
        %get3A_501 = arith.index_cast %add3A_500 : i32 to index
        %get3A_502 = arith.constant 48 : index
        %get3A_503 = tpu.vector_load %arg6[%get3A_501, %get3A_502] {strides = array<i32>} : memref<320x128xf32, #tpu.memory_space<vmem>>, vector<1x16xf32>,
        %get3A_504 = vector.shape_cast %get3A_503 : vector<1x16xf32> to vector<16xf32>
        %max3A_505 = arith.maximumf %max3A_498, %get3A_504 : vector<16xf32>
        %swap3A_506 = arith.index_cast %scan3A_225 : i32 to index
        %swap3A_507 = arith.constant 48 : index
        %swap3A_508 = tpu.vector_load %arg7[%swap3A_506, %swap3A_507] {strides = array<i32>} : memref<32x128xf32, #tpu.memory_space<vmem>>, vector<1x16xf32>,
        %swap3A_509 = vector.shape_cast %swap3A_508 : vector<1x16xf32> to vector<16xf32>
        %swap3A_510 = vector.shape_cast %max3A_505 : vector<16xf32> to vector<1x16xf32>
        tpu.vector_store %arg7[%swap3A_506, %swap3A_507], %swap3A_510 {strides = array<i32>} : memref<32x128xf32, #tpu.memory_space<vmem>>, vector<1x16xf32>,
        %get3A_511 = arith.index_cast %scan3A_225 : i32 to index
        %get3A_512 = arith.constant 64 : index
        %get3A_513 = tpu.vector_load %arg6[%get3A_511, %get3A_512] {strides = array<i32>} : memref<320x128xf32, #tpu.memory_space<vmem>>, vector<1x16xf32>,
        %get3A_514 = vector.shape_cast %get3A_513 : vector<1x16xf32> to vector<16xf32>
        %add3A_515 = arith.constant 32 : i32
        %add3A_516 = arith.addi %add3A_515, %scan3A_225 : i32
        %get3A_517 = arith.index_cast %add3A_516 : i32 to index
        %get3A_518 = arith.constant 64 : index
        %get3A_519 = tpu.vector_load %arg6[%get3A_517, %get3A_518] {strides = array<i32>} : memref<320x128xf32, #tpu.memory_space<vmem>>, vector<1x16xf32>,
        %get3A_520 = vector.shape_cast %get3A_519 : vector<1x16xf32> to vector<16xf32>
        %max3A_521 = arith.maximumf %get3A_514, %get3A_520 : vector<16xf32>
        %add3A_522 = arith.constant 64 : i32
        %add3A_523 = arith.addi %add3A_522, %scan3A_225 : i32
        %get3A_524 = arith.index_cast %add3A_523 : i32 to index
        %get3A_525 = arith.constant 64 : index
        %get3A_526 = tpu.vector_load %arg6[%get3A_524, %get3A_525] {strides = array<i32>} : memref<320x128xf32, #tpu.memory_space<vmem>>, vector<1x16xf32>,
        %get3A_527 = vector.shape_cast %get3A_526 : vector<1x16xf32> to vector<16xf32>
        %max3A_528 = arith.maximumf %max3A_521, %get3A_527 : vector<16xf32>
        %add3A_529 = arith.constant 96 : i32
        %add3A_530 = arith.addi %add3A_529, %scan3A_225 : i32
        %get3A_531 = arith.index_cast %add3A_530 : i32 to index
        %get3A_532 = arith.constant 64 : index
        %get3A_533 = tpu.vector_load %arg6[%get3A_531, %get3A_532] {strides = array<i32>} : memref<320x128xf32, #tpu.memory_space<vmem>>, vector<1x16xf32>,
        %get3A_534 = vector.shape_cast %get3A_533 : vector<1x16xf32> to vector<16xf32>
        %max3A_535 = arith.maximumf %max3A_528, %get3A_534 : vector<16xf32>
        %add3A_536 = arith.constant 128 : i32
        %add3A_537 = arith.addi %add3A_536, %scan3A_225 : i32
        %get3A_538 = arith.index_cast %add3A_537 : i32 to index
        %get3A_539 = arith.constant 64 : index
        %get3A_540 = tpu.vector_load %arg6[%get3A_538, %get3A_539] {strides = array<i32>} : memref<320x128xf32, #tpu.memory_space<vmem>>, vector<1x16xf32>,
        %get3A_541 = vector.shape_cast %get3A_540 : vector<1x16xf32> to vector<16xf32>
        %max3A_542 = arith.maximumf %max3A_535, %get3A_541 : vector<16xf32>
        %add3A_543 = arith.constant 160 : i32
        %add3A_544 = arith.addi %add3A_543, %scan3A_225 : i32
        %get3A_545 = arith.index_cast %add3A_544 : i32 to index
        %get3A_546 = arith.constant 64 : index
        %get3A_547 = tpu.vector_load %arg6[%get3A_545, %get3A_546] {strides = array<i32>} : memref<320x128xf32, #tpu.memory_space<vmem>>, vector<1x16xf32>,
        %get3A_548 = vector.shape_cast %get3A_547 : vector<1x16xf32> to vector<16xf32>
        %max3A_549 = arith.maximumf %max3A_542, %get3A_548 : vector<16xf32>
        %add3A_550 = arith.constant 192 : i32
        %add3A_551 = arith.addi %add3A_550, %scan3A_225 : i32
        %get3A_552 = arith.index_cast %add3A_551 : i32 to index
        %get3A_553 = arith.constant 64 : index
        %get3A_554 = tpu.vector_load %arg6[%get3A_552, %get3A_553] {strides = array<i32>} : memref<320x128xf32, #tpu.memory_space<vmem>>, vector<1x16xf32>,
        %get3A_555 = vector.shape_cast %get3A_554 : vector<1x16xf32> to vector<16xf32>
        %max3A_556 = arith.maximumf %max3A_549, %get3A_555 : vector<16xf32>
        %add3A_557 = arith.constant 224 : i32
        %add3A_558 = arith.addi %add3A_557, %scan3A_225 : i32
        %get3A_559 = arith.index_cast %add3A_558 : i32 to index
        %get3A_560 = arith.constant 64 : index
        %get3A_561 = tpu.vector_load %arg6[%get3A_559, %get3A_560] {strides = array<i32>} : memref<320x128xf32, #tpu.memory_space<vmem>>, vector<1x16xf32>,
        %get3A_562 = vector.shape_cast %get3A_561 : vector<1x16xf32> to vector<16xf32>
        %max3A_563 = arith.maximumf %max3A_556, %get3A_562 : vector<16xf32>
        %add3A_564 = arith.constant 256 : i32
        %add3A_565 = arith.addi %add3A_564, %scan3A_225 : i32
        %get3A_566 = arith.index_cast %add3A_565 : i32 to index
        %get3A_567 = arith.constant 64 : index
        %get3A_568 = tpu.vector_load %arg6[%get3A_566, %get3A_567] {strides = array<i32>} : memref<320x128xf32, #tpu.memory_space<vmem>>, vector<1x16xf32>,
        %get3A_569 = vector.shape_cast %get3A_568 : vector<1x16xf32> to vector<16xf32>
        %max3A_570 = arith.maximumf %max3A_563, %get3A_569 : vector<16xf32>
        %add3A_571 = arith.constant 288 : i32
        %add3A_572 = arith.addi %add3A_571, %scan3A_225 : i32
        %get3A_573 = arith.index_cast %add3A_572 : i32 to index
        %get3A_574 = arith.constant 64 : index
        %get3A_575 = tpu.vector_load %arg6[%get3A_573, %get3A_574] {strides = array<i32>} : memref<320x128xf32, #tpu.memory_space<vmem>>, vector<1x16xf32>,
        %get3A_576 = vector.shape_cast %get3A_575 : vector<1x16xf32> to vector<16xf32>
        %max3A_577 = arith.maximumf %max3A_570, %get3A_576 : vector<16xf32>
        %swap3A_578 = arith.index_cast %scan3A_225 : i32 to index
        %swap3A_579 = arith.constant 64 : index
        %swap3A_580 = tpu.vector_load %arg7[%swap3A_578, %swap3A_579] {strides = array<i32>} : memref<32x128xf32, #tpu.memory_space<vmem>>, vector<1x16xf32>,
        %swap3A_581 = vector.shape_cast %swap3A_580 : vector<1x16xf32> to vector<16xf32>
        %swap3A_582 = vector.shape_cast %max3A_577 : vector<16xf32> to vector<1x16xf32>
        tpu.vector_store %arg7[%swap3A_578, %swap3A_579], %swap3A_582 {strides = array<i32>} : memref<32x128xf32, #tpu.memory_space<vmem>>, vector<1x16xf32>,
        %get3A_583 = arith.index_cast %scan3A_225 : i32 to index
        %get3A_584 = arith.constant 80 : index
        %get3A_585 = tpu.vector_load %arg6[%get3A_583, %get3A_584] {strides = array<i32>} : memref<320x128xf32, #tpu.memory_space<vmem>>, vector<1x16xf32>,
        %get3A_586 = vector.shape_cast %get3A_585 : vector<1x16xf32> to vector<16xf32>
        %add3A_587 = arith.constant 32 : i32
        %add3A_588 = arith.addi %add3A_587, %scan3A_225 : i32
        %get3A_589 = arith.index_cast %add3A_588 : i32 to index
        %get3A_590 = arith.constant 80 : index
        %get3A_591 = tpu.vector_load %arg6[%get3A_589, %get3A_590] {strides = array<i32>} : memref<320x128xf32, #tpu.memory_space<vmem>>, vector<1x16xf32>,
        %get3A_592 = vector.shape_cast %get3A_591 : vector<1x16xf32> to vector<16xf32>
        %max3A_593 = arith.maximumf %get3A_586, %get3A_592 : vector<16xf32>
        %add3A_594 = arith.constant 64 : i32
        %add3A_595 = arith.addi %add3A_594, %scan3A_225 : i32
        %get3A_596 = arith.index_cast %add3A_595 : i32 to index
        %get3A_597 = arith.constant 80 : index
        %get3A_598 = tpu.vector_load %arg6[%get3A_596, %get3A_597] {strides = array<i32>} : memref<320x128xf32, #tpu.memory_space<vmem>>, vector<1x16xf32>,
        %get3A_599 = vector.shape_cast %get3A_598 : vector<1x16xf32> to vector<16xf32>
        %max3A_600 = arith.maximumf %max3A_593, %get3A_599 : vector<16xf32>
        %add3A_601 = arith.constant 96 : i32
        %add3A_602 = arith.addi %add3A_601, %scan3A_225 : i32
        %get3A_603 = arith.index_cast %add3A_602 : i32 to index
        %get3A_604 = arith.constant 80 : index
        %get3A_605 = tpu.vector_load %arg6[%get3A_603, %get3A_604] {strides = array<i32>} : memref<320x128xf32, #tpu.memory_space<vmem>>, vector<1x16xf32>,
        %get3A_606 = vector.shape_cast %get3A_605 : vector<1x16xf32> to vector<16xf32>
        %max3A_607 = arith.maximumf %max3A_600, %get3A_606 : vector<16xf32>
        %add3A_608 = arith.constant 128 : i32
        %add3A_609 = arith.addi %add3A_608, %scan3A_225 : i32
        %get3A_610 = arith.index_cast %add3A_609 : i32 to index
        %get3A_611 = arith.constant 80 : index
        %get3A_612 = tpu.vector_load %arg6[%get3A_610, %get3A_611] {strides = array<i32>} : memref<320x128xf32, #tpu.memory_space<vmem>>, vector<1x16xf32>,
        %get3A_613 = vector.shape_cast %get3A_612 : vector<1x16xf32> to vector<16xf32>
        %max3A_614 = arith.maximumf %max3A_607, %get3A_613 : vector<16xf32>
        %add3A_615 = arith.constant 160 : i32
        %add3A_616 = arith.addi %add3A_615, %scan3A_225 : i32
        %get3A_617 = arith.index_cast %add3A_616 : i32 to index
        %get3A_618 = arith.constant 80 : index
        %get3A_619 = tpu.vector_load %arg6[%get3A_617, %get3A_618] {strides = array<i32>} : memref<320x128xf32, #tpu.memory_space<vmem>>, vector<1x16xf32>,
        %get3A_620 = vector.shape_cast %get3A_619 : vector<1x16xf32> to vector<16xf32>
        %max3A_621 = arith.maximumf %max3A_614, %get3A_620 : vector<16xf32>
        %add3A_622 = arith.constant 192 : i32
        %add3A_623 = arith.addi %add3A_622, %scan3A_225 : i32
        %get3A_624 = arith.index_cast %add3A_623 : i32 to index
        %get3A_625 = arith.constant 80 : index
        %get3A_626 = tpu.vector_load %arg6[%get3A_624, %get3A_625] {strides = array<i32>} : memref<320x128xf32, #tpu.memory_space<vmem>>, vector<1x16xf32>,
        %get3A_627 = vector.shape_cast %get3A_626 : vector<1x16xf32> to vector<16xf32>
        %max3A_628 = arith.maximumf %max3A_621, %get3A_627 : vector<16xf32>
        %add3A_629 = arith.constant 224 : i32
        %add3A_630 = arith.addi %add3A_629, %scan3A_225 : i32
        %get3A_631 = arith.index_cast %add3A_630 : i32 to index
        %get3A_632 = arith.constant 80 : index
        %get3A_633 = tpu.vector_load %arg6[%get3A_631, %get3A_632] {strides = array<i32>} : memref<320x128xf32, #tpu.memory_space<vmem>>, vector<1x16xf32>,
        %get3A_634 = vector.shape_cast %get3A_633 : vector<1x16xf32> to vector<16xf32>
        %max3A_635 = arith.maximumf %max3A_628, %get3A_634 : vector<16xf32>
        %add3A_636 = arith.constant 256 : i32
        %add3A_637 = arith.addi %add3A_636, %scan3A_225 : i32
        %get3A_638 = arith.index_cast %add3A_637 : i32 to index
        %get3A_639 = arith.constant 80 : index
        %get3A_640 = tpu.vector_load %arg6[%get3A_638, %get3A_639] {strides = array<i32>} : memref<320x128xf32, #tpu.memory_space<vmem>>, vector<1x16xf32>,
        %get3A_641 = vector.shape_cast %get3A_640 : vector<1x16xf32> to vector<16xf32>
        %max3A_642 = arith.maximumf %max3A_635, %get3A_641 : vector<16xf32>
        %add3A_643 = arith.constant 288 : i32
        %add3A_644 = arith.addi %add3A_643, %scan3A_225 : i32
        %get3A_645 = arith.index_cast %add3A_644 : i32 to index
        %get3A_646 = arith.constant 80 : index
        %get3A_647 = tpu.vector_load %arg6[%get3A_645, %get3A_646] {strides = array<i32>} : memref<320x128xf32, #tpu.memory_space<vmem>>, vector<1x16xf32>,
        %get3A_648 = vector.shape_cast %get3A_647 : vector<1x16xf32> to vector<16xf32>
        %max3A_649 = arith.maximumf %max3A_642, %get3A_648 : vector<16xf32>
        %swap3A_650 = arith.index_cast %scan3A_225 : i32 to index
        %swap3A_651 = arith.constant 80 : index
        %swap3A_652 = tpu.vector_load %arg7[%swap3A_650, %swap3A_651] {strides = array<i32>} : memref<32x128xf32, #tpu.memory_space<vmem>>, vector<1x16xf32>,
        %swap3A_653 = vector.shape_cast %swap3A_652 : vector<1x16xf32> to vector<16xf32>
        %swap3A_654 = vector.shape_cast %max3A_649 : vector<16xf32> to vector<1x16xf32>
        tpu.vector_store %arg7[%swap3A_650, %swap3A_651], %swap3A_654 {strides = array<i32>} : memref<32x128xf32, #tpu.memory_space<vmem>>, vector<1x16xf32>,
        %get3A_655 = arith.index_cast %scan3A_225 : i32 to index
        %get3A_656 = arith.constant 96 : index
        %get3A_657 = tpu.vector_load %arg6[%get3A_655, %get3A_656] {strides = array<i32>} : memref<320x128xf32, #tpu.memory_space<vmem>>, vector<1x16xf32>,
        %get3A_658 = vector.shape_cast %get3A_657 : vector<1x16xf32> to vector<16xf32>
        %add3A_659 = arith.constant 32 : i32
        %add3A_660 = arith.addi %add3A_659, %scan3A_225 : i32
        %get3A_661 = arith.index_cast %add3A_660 : i32 to index
        %get3A_662 = arith.constant 96 : index
        %get3A_663 = tpu.vector_load %arg6[%get3A_661, %get3A_662] {strides = array<i32>} : memref<320x128xf32, #tpu.memory_space<vmem>>, vector<1x16xf32>,
        %get3A_664 = vector.shape_cast %get3A_663 : vector<1x16xf32> to vector<16xf32>
        %max3A_665 = arith.maximumf %get3A_658, %get3A_664 : vector<16xf32>
        %add3A_666 = arith.constant 64 : i32
        %add3A_667 = arith.addi %add3A_666, %scan3A_225 : i32
        %get3A_668 = arith.index_cast %add3A_667 : i32 to index
        %get3A_669 = arith.constant 96 : index
        %get3A_670 = tpu.vector_load %arg6[%get3A_668, %get3A_669] {strides = array<i32>} : memref<320x128xf32, #tpu.memory_space<vmem>>, vector<1x16xf32>,
        %get3A_671 = vector.shape_cast %get3A_670 : vector<1x16xf32> to vector<16xf32>
        %max3A_672 = arith.maximumf %max3A_665, %get3A_671 : vector<16xf32>
        %add3A_673 = arith.constant 96 : i32
        %add3A_674 = arith.addi %add3A_673, %scan3A_225 : i32
        %get3A_675 = arith.index_cast %add3A_674 : i32 to index
        %get3A_676 = arith.constant 96 : index
        %get3A_677 = tpu.vector_load %arg6[%get3A_675, %get3A_676] {strides = array<i32>} : memref<320x128xf32, #tpu.memory_space<vmem>>, vector<1x16xf32>,
        %get3A_678 = vector.shape_cast %get3A_677 : vector<1x16xf32> to vector<16xf32>
        %max3A_679 = arith.maximumf %max3A_672, %get3A_678 : vector<16xf32>
        %add3A_680 = arith.constant 128 : i32
        %add3A_681 = arith.addi %add3A_680, %scan3A_225 : i32
        %get3A_682 = arith.index_cast %add3A_681 : i32 to index
        %get3A_683 = arith.constant 96 : index
        %get3A_684 = tpu.vector_load %arg6[%get3A_682, %get3A_683] {strides = array<i32>} : memref<320x128xf32, #tpu.memory_space<vmem>>, vector<1x16xf32>,
        %get3A_685 = vector.shape_cast %get3A_684 : vector<1x16xf32> to vector<16xf32>
        %max3A_686 = arith.maximumf %max3A_679, %get3A_685 : vector<16xf32>
        %add3A_687 = arith.constant 160 : i32
        %add3A_688 = arith.addi %add3A_687, %scan3A_225 : i32
        %get3A_689 = arith.index_cast %add3A_688 : i32 to index
        %get3A_690 = arith.constant 96 : index
        %get3A_691 = tpu.vector_load %arg6[%get3A_689, %get3A_690] {strides = array<i32>} : memref<320x128xf32, #tpu.memory_space<vmem>>, vector<1x16xf32>,
        %get3A_692 = vector.shape_cast %get3A_691 : vector<1x16xf32> to vector<16xf32>
        %max3A_693 = arith.maximumf %max3A_686, %get3A_692 : vector<16xf32>
        %add3A_694 = arith.constant 192 : i32
        %add3A_695 = arith.addi %add3A_694, %scan3A_225 : i32
        %get3A_696 = arith.index_cast %add3A_695 : i32 to index
        %get3A_697 = arith.constant 96 : index
        %get3A_698 = tpu.vector_load %arg6[%get3A_696, %get3A_697] {strides = array<i32>} : memref<320x128xf32, #tpu.memory_space<vmem>>, vector<1x16xf32>,
        %get3A_699 = vector.shape_cast %get3A_698 : vector<1x16xf32> to vector<16xf32>
        %max3A_700 = arith.maximumf %max3A_693, %get3A_699 : vector<16xf32>
        %add3A_701 = arith.constant 224 : i32
        %add3A_702 = arith.addi %add3A_701, %scan3A_225 : i32
        %get3A_703 = arith.index_cast %add3A_702 : i32 to index
        %get3A_704 = arith.constant 96 : index
        %get3A_705 = tpu.vector_load %arg6[%get3A_703, %get3A_704] {strides = array<i32>} : memref<320x128xf32, #tpu.memory_space<vmem>>, vector<1x16xf32>,
        %get3A_706 = vector.shape_cast %get3A_705 : vector<1x16xf32> to vector<16xf32>
        %max3A_707 = arith.maximumf %max3A_700, %get3A_706 : vector<16xf32>
        %add3A_708 = arith.constant 256 : i32
        %add3A_709 = arith.addi %add3A_708, %scan3A_225 : i32
        %get3A_710 = arith.index_cast %add3A_709 : i32 to index
        %get3A_711 = arith.constant 96 : index
        %get3A_712 = tpu.vector_load %arg6[%get3A_710, %get3A_711] {strides = array<i32>} : memref<320x128xf32, #tpu.memory_space<vmem>>, vector<1x16xf32>,
        %get3A_713 = vector.shape_cast %get3A_712 : vector<1x16xf32> to vector<16xf32>
        %max3A_714 = arith.maximumf %max3A_707, %get3A_713 : vector<16xf32>
        %add3A_715 = arith.constant 288 : i32
        %add3A_716 = arith.addi %add3A_715, %scan3A_225 : i32
        %get3A_717 = arith.index_cast %add3A_716 : i32 to index
        %get3A_718 = arith.constant 96 : index
        %get3A_719 = tpu.vector_load %arg6[%get3A_717, %get3A_718] {strides = array<i32>} : memref<320x128xf32, #tpu.memory_space<vmem>>, vector<1x16xf32>,
        %get3A_720 = vector.shape_cast %get3A_719 : vector<1x16xf32> to vector<16xf32>
        %max3A_721 = arith.maximumf %max3A_714, %get3A_720 : vector<16xf32>
        %swap3A_722 = arith.index_cast %scan3A_225 : i32 to index
        %swap3A_723 = arith.constant 96 : index
        %swap3A_724 = tpu.vector_load %arg7[%swap3A_722, %swap3A_723] {strides = array<i32>} : memref<32x128xf32, #tpu.memory_space<vmem>>, vector<1x16xf32>,
        %swap3A_725 = vector.shape_cast %swap3A_724 : vector<1x16xf32> to vector<16xf32>
        %swap3A_726 = vector.shape_cast %max3A_721 : vector<16xf32> to vector<1x16xf32>
        tpu.vector_store %arg7[%swap3A_722, %swap3A_723], %swap3A_726 {strides = array<i32>} : memref<32x128xf32, #tpu.memory_space<vmem>>, vector<1x16xf32>,
        %get3A_727 = arith.index_cast %scan3A_225 : i32 to index
        %get3A_728 = arith.constant 112 : index
        %get3A_729 = tpu.vector_load %arg6[%get3A_727, %get3A_728] {strides = array<i32>} : memref<320x128xf32, #tpu.memory_space<vmem>>, vector<1x16xf32>,
        %get3A_730 = vector.shape_cast %get3A_729 : vector<1x16xf32> to vector<16xf32>
        %add3A_731 = arith.constant 32 : i32
        %add3A_732 = arith.addi %add3A_731, %scan3A_225 : i32
        %get3A_733 = arith.index_cast %add3A_732 : i32 to index
        %get3A_734 = arith.constant 112 : index
        %get3A_735 = tpu.vector_load %arg6[%get3A_733, %get3A_734] {strides = array<i32>} : memref<320x128xf32, #tpu.memory_space<vmem>>, vector<1x16xf32>,
        %get3A_736 = vector.shape_cast %get3A_735 : vector<1x16xf32> to vector<16xf32>
        %max3A_737 = arith.maximumf %get3A_730, %get3A_736 : vector<16xf32>
        %add3A_738 = arith.constant 64 : i32
        %add3A_739 = arith.addi %add3A_738, %scan3A_225 : i32
        %get3A_740 = arith.index_cast %add3A_739 : i32 to index
        %get3A_741 = arith.constant 112 : index
        %get3A_742 = tpu.vector_load %arg6[%get3A_740, %get3A_741] {strides = array<i32>} : memref<320x128xf32, #tpu.memory_space<vmem>>, vector<1x16xf32>,
        %get3A_743 = vector.shape_cast %get3A_742 : vector<1x16xf32> to vector<16xf32>
        %max3A_744 = arith.maximumf %max3A_737, %get3A_743 : vector<16xf32>
        %add3A_745 = arith.constant 96 : i32
        %add3A_746 = arith.addi %add3A_745, %scan3A_225 : i32
        %get3A_747 = arith.index_cast %add3A_746 : i32 to index
        %get3A_748 = arith.constant 112 : index
        %get3A_749 = tpu.vector_load %arg6[%get3A_747, %get3A_748] {strides = array<i32>} : memref<320x128xf32, #tpu.memory_space<vmem>>, vector<1x16xf32>,
        %get3A_750 = vector.shape_cast %get3A_749 : vector<1x16xf32> to vector<16xf32>
        %max3A_751 = arith.maximumf %max3A_744, %get3A_750 : vector<16xf32>
        %add3A_752 = arith.constant 128 : i32
        %add3A_753 = arith.addi %add3A_752, %scan3A_225 : i32
        %get3A_754 = arith.index_cast %add3A_753 : i32 to index
        %get3A_755 = arith.constant 112 : index
        %get3A_756 = tpu.vector_load %arg6[%get3A_754, %get3A_755] {strides = array<i32>} : memref<320x128xf32, #tpu.memory_space<vmem>>, vector<1x16xf32>,
        %get3A_757 = vector.shape_cast %get3A_756 : vector<1x16xf32> to vector<16xf32>
        %max3A_758 = arith.maximumf %max3A_751, %get3A_757 : vector<16xf32>
        %add3A_759 = arith.constant 160 : i32
        %add3A_760 = arith.addi %add3A_759, %scan3A_225 : i32
        %get3A_761 = arith.index_cast %add3A_760 : i32 to index
        %get3A_762 = arith.constant 112 : index
        %get3A_763 = tpu.vector_load %arg6[%get3A_761, %get3A_762] {strides = array<i32>} : memref<320x128xf32, #tpu.memory_space<vmem>>, vector<1x16xf32>,
        %get3A_764 = vector.shape_cast %get3A_763 : vector<1x16xf32> to vector<16xf32>
        %max3A_765 = arith.maximumf %max3A_758, %get3A_764 : vector<16xf32>
        %add3A_766 = arith.constant 192 : i32
        %add3A_767 = arith.addi %add3A_766, %scan3A_225 : i32
        %get3A_768 = arith.index_cast %add3A_767 : i32 to index
        %get3A_769 = arith.constant 112 : index
        %get3A_770 = tpu.vector_load %arg6[%get3A_768, %get3A_769] {strides = array<i32>} : memref<320x128xf32, #tpu.memory_space<vmem>>, vector<1x16xf32>,
        %get3A_771 = vector.shape_cast %get3A_770 : vector<1x16xf32> to vector<16xf32>
        %max3A_772 = arith.maximumf %max3A_765, %get3A_771 : vector<16xf32>
        %add3A_773 = arith.constant 224 : i32
        %add3A_774 = arith.addi %add3A_773, %scan3A_225 : i32
        %get3A_775 = arith.index_cast %add3A_774 : i32 to index
        %get3A_776 = arith.constant 112 : index
        %get3A_777 = tpu.vector_load %arg6[%get3A_775, %get3A_776] {strides = array<i32>} : memref<320x128xf32, #tpu.memory_space<vmem>>, vector<1x16xf32>,
        %get3A_778 = vector.shape_cast %get3A_777 : vector<1x16xf32> to vector<16xf32>
        %max3A_779 = arith.maximumf %max3A_772, %get3A_778 : vector<16xf32>
        %add3A_780 = arith.constant 256 : i32
        %add3A_781 = arith.addi %add3A_780, %scan3A_225 : i32
        %get3A_782 = arith.index_cast %add3A_781 : i32 to index
        %get3A_783 = arith.constant 112 : index
        %get3A_784 = tpu.vector_load %arg6[%get3A_782, %get3A_783] {strides = array<i32>} : memref<320x128xf32, #tpu.memory_space<vmem>>, vector<1x16xf32>,
        %get3A_785 = vector.shape_cast %get3A_784 : vector<1x16xf32> to vector<16xf32>
        %max3A_786 = arith.maximumf %max3A_779, %get3A_785 : vector<16xf32>
        %add3A_787 = arith.constant 288 : i32
        %add3A_788 = arith.addi %add3A_787, %scan3A_225 : i32
        %get3A_789 = arith.index_cast %add3A_788 : i32 to index
        %get3A_790 = arith.constant 112 : index
        %get3A_791 = tpu.vector_load %arg6[%get3A_789, %get3A_790] {strides = array<i32>} : memref<320x128xf32, #tpu.memory_space<vmem>>, vector<1x16xf32>,
        %get3A_792 = vector.shape_cast %get3A_791 : vector<1x16xf32> to vector<16xf32>
        %max3A_793 = arith.maximumf %max3A_786, %get3A_792 : vector<16xf32>
        %swap3A_794 = arith.index_cast %scan3A_225 : i32 to index
        %swap3A_795 = arith.constant 112 : index
        %swap3A_796 = tpu.vector_load %arg7[%swap3A_794, %swap3A_795] {strides = array<i32>} : memref<32x128xf32, #tpu.memory_space<vmem>>, vector<1x16xf32>,
        %swap3A_797 = vector.shape_cast %swap3A_796 : vector<1x16xf32> to vector<16xf32>
        %swap3A_798 = vector.shape_cast %max3A_793 : vector<16xf32> to vector<1x16xf32>
        tpu.vector_store %arg7[%swap3A_794, %swap3A_795], %swap3A_798 {strides = array<i32>} : memref<32x128xf32, #tpu.memory_space<vmem>>, vector<1x16xf32>,
      }
      %scan3A_222 = arith.constant 32 : i32
      %mul3A_223 = arith.constant 32 : i32
      %mul3A_224 = arith.muli %add3A_19, %mul3A_223 : i32
      "tpu.region"() ({
        %run_scoped3A = tpu.sem_alloc : memref<!tpu.dma_semaphore, #tpu.memory_space<semaphore_mem>>
        %dma_start3A_225 = arith.constant 0 : i32
        %dma_start3A_226 = tpu.memref_slice %arg4[%mul3A_224, %dma_start3A_225] : memref<50176x128xf32, #tpu.memory_space<hbm>> -> memref<32x128xf32, #tpu.memory_space<hbm>>
        %dma_start3A_227 = arith.constant 0 : i32
        %dma_start3A_228 = tpu.memref_slice %arg4[%mul3A_224, %dma_start3A_227] : memref<50176x128xf32, #tpu.memory_space<hbm>> -> memref<32x128xf32, #tpu.memory_space<hbm>>
        tpu.enqueue_dma source(%arg7 : memref<32x128xf32, #tpu.memory_space<vmem>>) target(%dma_start3A_228 : memref<32x128xf32, #tpu.memory_space<hbm>>) target_semaphore(%run_scoped3A : memref<!tpu.dma_semaphore, #tpu.memory_space<semaphore_mem>>)
        %dma_wait3A_229 = arith.constant 0 : i32
        %dma_wait3A_230 = tpu.memref_slice %arg4[%mul3A_224, %dma_wait3A_229] : memref<50176x128xf32, #tpu.memory_space<hbm>> -> memref<32x128xf32, #tpu.memory_space<hbm>>
        %dma_wait3A_231 = arith.constant 0 : i32
        %dma_wait3A_232 = tpu.memref_slice %arg4[%mul3A_224, %dma_wait3A_231] : memref<50176x128xf32, #tpu.memory_space<hbm>> -> memref<32x128xf32, #tpu.memory_space<hbm>>
        tpu.wait_dma2 semaphore(%run_scoped3A : memref<!tpu.dma_semaphore, #tpu.memory_space<semaphore_mem>>) src(%arg7 : memref<32x128xf32, #tpu.memory_space<vmem>>) dst(%dma_wait3A_232 : memref<32x128xf32, #tpu.memory_space<hbm>>)
        tpu.yield
      }) : () -> ()
    }
    return
  }
}

</mosaic_0001>

<sc_bundles>
// kernel: kernel.3.cloned.1.call-start
scs
__scs_entry_jumppad:
0x0: {  	(pc) =	sbr.rel $0x88, $3  }
0x1: {  	(tag) =	ssettag $0x0;
	lr =	simm.s32 $0x1  }
0x2: {  	[smem:$0x3F9F] =	sst lr;
	_ =	strace $0xD0000000  }
0x3: {  	_ = 	snop  }
0x4: {  	_ = 	snop  }
0x5: {  	_ = 	snop  }
0x6: {  	_ = 	snop  }
0x7: {  	_ = 	snop  }
__scs_overlays_trampoline_lowered:
0x8: {  	[smem:$0x3FAE] =	sst s0  }
0x9: {  	[smem:$0x3FAF] =	sst s1  }
0xa: {  	[smem:$0x3FB0] =	sst s2  }
0xb: {  	[smem:$0x3FB1] =	sst s3  }
0xc: {  	[smem:$0x3FB2] =	sst s4  }
0xd: {  	[smem:$0x3FB3] =	sst s5  }
0xe: {  	[smem:$0x3FB4] =	sst s6  }
0xf: {  	[smem:$0x3FB5] =	sst s7  }
0x10: {  	[smem:$0x3FB6] =	sst s8  }
0x11: {  	[smem:$0x3FB7] =	sst s9;
	s0 =	simm.s32 @!p0 $0x0  }
0x12: {  	s1 =	sld [smem:$0x3F9D];
	s0 =	simm.s32 @p0 $0x1  }
0x13: {  	[smem:$0x3FB8] =	sst s0;
	s0 =	simm.s32 @!p1 $0x0  }
0x14: {  	s2 =	sld [smem:$0x3F9C];
	s0 =	simm.s32 @p1 $0x1  }
0x15: {  	[smem:$0x3FB9] =	sst s0;
	s0 =	simm.s32 @!p2 $0x0  }
0x16: {  	s3 =	sld [smem:$0x3FDB];
	s0 =	simm.s32 @p2 $0x1  }
0x17: {  	s4 =	simm.s32 $0x1BF5;
	[smem:$0x3FBB] =	sst s0  }
0x18: {  	s0 =	sld [smem:$0x3F9E];
	_ =	swait.ge [sflag:s4], $0x0  }
0x19: {  	s7 =	sld [smem:$0x3F9F]  }
0x1a: {  	s8 =	sadd.s32 $0xFFFFE003, lr  }
0x1b: {  	s9 =	sadd.s32 $0xFFFFFEF7, lr;
	s5 =	simm.s32 $0xFFFFFFFF;
	p2 =	slt.u32 s8, $0xFFFFF086  }
0x1c: {  	p1 =	slt.u32 s9, $0xF7A;
	s5 =	simm.s32 @!p2 $0x0  }
0x1d: {  	s5 =	simm.s32 @p1 $0x1;
	p0 =	seq.s32 s7, s2  }
0x1e: {  	s7 =	smul.u32 @!p0 $0xF7A, s2;
	p2 =	seq.s32 @!p0 s5, $0x0  }
0x1f: {  	s9 =	smul.u32 $0xF7A, s1;
	s8 =	simm.s32 @!p0 $0x1BF5;
	p2 =	por !p2, p0  }
0x20: {  	[sflag:s8] =	ssyncset.s32 @!p0 $0xFFFFF086;
	s6 =	sadd.s32 @!p0 s3, s7;
	s7 =	simm.s32 @!p0 $0x108  }
0x21: {  	s3 =	sadd.s32 s3, s9;
	s6 =	sadd.s32 @!p0 $0x88, s6;
	s7 =	simm.s32 @p2 $0x1082  }
0x22: {  	[simem:s7], [sflag:s8] =	dma.local @!p0 [hbm:s6], $0xF7A  }
0x23: {  	s9 =	sor.u32 $0xD0000000, s2;
	s6 =	simm.s32 $0x108;
	_ =	swait.ge @!p0 [sflag:s8], $0x0  }
0x24: {  	s3 =	sadd.s32 $0x88, s3;
	s6 =	simm.s32 @!p1 $0x1082;
	[sflag:s4] =	ssyncset.s32 $0xFFFFF086  }
0x25: {  	[simem:s6], [sflag:s4] =	dma.local [hbm:s3], $0xF7A  }
0x26: {  	[smem:$0x3F9F] =	sst s1;
	(tag) =	ssettag s2;
	_ =	strace s9  }
0x27: {  	s1 =	sld [smem:$0x3FAF]  }
0x28: {  	s2 =	sld [smem:$0x3FB0]  }
0x29: {  	s4 =	sld [smem:$0x3FB2]  }
0x2a: {  	p0 =	seq.s32 s5, $0x0;
	s5 =	sld [smem:$0x3FB3]  }
0x2b: {  	s6 =	sld [smem:$0x3FB4]  }
0x2c: {  	s7 =	sld [smem:$0x3FB5]  }
0x2d: {  	s3 =	simm.s32 $0x108;
	s8 =	sld [smem:$0x3FB6]  }
0x2e: {  	s3 =	simm.s32 @!p0 $0x1082;
	s9 =	sld [smem:$0x3FB7]  }
0x2f: {  	lr =	sadd.s32 s0, s3;
	s0 =	sld [smem:$0x3FAE]  }
0x30: {  	s3 =	sld [smem:$0x3FB1]  }
0x31: {  	[smem:$0x3FBA] =	sst s10  }
0x32: {  	s10 =	sld [smem:$0x3FB8];
	_ =	sdelay $0x3  }
0x33: {  	p0 =	seq.s32 s10, $0x1;
	s10 =	sld [smem:$0x3FBA];
	_ =	sdelay $0x3  }
0x34: {  	[smem:$0x3FBA] =	sst s10  }
0x35: {  	s10 =	sld [smem:$0x3FB9];
	_ =	sdelay $0x3  }
0x36: {  	p1 =	seq.s32 s10, $0x1;
	s10 =	sld [smem:$0x3FBA];
	_ =	sdelay $0x3  }
0x37: {  	[smem:$0x3FBA] =	sst s10  }
0x38: {  	s10 =	sld [smem:$0x3FBB]  }
0x39: {  	_ = 	snop;
	(pc) =	sbr.ind lr, $3  }
0x3a: {  	_ = 	snop  }
0x3b: {  	_ = 	snop  }
0x3c: {  	p2 =	seq.s32 s10, $0x1;
	s10 =	sld [smem:$0x3FBA]  }
0x3d: {  	_ =	shalt  }
0x3e: {  	_ =	shalt  }
0x3f: {  	_ =	shalt  }
0x40: {  	_ =	shalt  }
0x41: {  	_ =	shalt  }
0x42: {  	_ =	shalt  }
0x43: {  	_ =	shalt  }
0x44: {  	_ =	shalt  }
0x45: {  	_ =	shalt  }
0x46: {  	_ =	shalt  }
0x47: {  	_ =	shalt  }
0x48: {  	_ =	shalt  }
0x49: {  	_ =	shalt  }
0x4a: {  	_ =	shalt  }
0x4b: {  	_ =	shalt  }
0x4c: {  	_ =	shalt  }
0x4d: {  	_ =	shalt  }
0x4e: {  	_ =	shalt  }
0x4f: {  	_ =	shalt  }
0x50: {  	_ =	shalt  }
0x51: {  	_ =	shalt  }
0x52: {  	_ =	shalt  }
0x53: {  	_ =	shalt  }
0x54: {  	_ =	shalt  }
0x55: {  	_ =	shalt  }
0x56: {  	_ =	shalt  }
0x57: {  	_ =	shalt  }
0x58: {  	_ =	shalt  }
0x59: {  	_ =	shalt  }
0x5a: {  	_ =	shalt  }
0x5b: {  	_ =	shalt  }
0x5c: {  	_ =	shalt  }
0x5d: {  	_ =	shalt  }
0x5e: {  	_ =	shalt  }
0x5f: {  	_ =	shalt  }
0x60: {  	_ =	shalt  }
0x61: {  	_ =	shalt  }
0x62: {  	_ =	shalt  }
0x63: {  	_ =	shalt  }
0x64: {  	_ =	shalt  }
0x65: {  	_ =	shalt  }
0x66: {  	_ =	shalt  }
0x67: {  	_ =	shalt  }
0x68: {  	_ =	shalt  }
0x69: {  	_ =	shalt  }
0x6a: {  	_ =	shalt  }
0x6b: {  	_ =	shalt  }
0x6c: {  	_ =	shalt  }
0x6d: {  	_ =	shalt  }
0x6e: {  	_ =	shalt  }
0x6f: {  	_ =	shalt  }
0x70: {  	_ =	shalt  }
0x71: {  	_ =	shalt  }
0x72: {  	_ =	shalt  }
0x73: {  	_ =	shalt  }
0x74: {  	_ =	shalt  }
0x75: {  	_ =	shalt  }
0x76: {  	_ =	shalt  }
0x77: {  	_ =	shalt  }
0x78: {  	_ =	shalt  }
0x79: {  	_ =	shalt  }
0x7a: {  	_ =	shalt  }
0x7b: {  	_ =	shalt  }
0x7c: {  	_ =	shalt  }
0x7d: {  	_ =	shalt  }
0x7e: {  	_ =	shalt  }
0x7f: {  	_ =	shalt  }
0x80: {  	_ =	shalt  }
0x81: {  	_ =	shalt  }
0x82: {  	_ =	shalt  }
0x83: {  	_ =	shalt  }
0x84: {  	_ =	shalt  }
0x85: {  	_ =	shalt  }
0x86: {  	_ =	shalt  }
0x87: {  	_ =	shalt  }
.Lfunc_end0:
.L_simem_size_0:
called_computation_lowered:
.L_overlay_start_0:
0x88: {  	s2 =	sld [smem:$0x3FD9]  }
0x89: {  	s3 =	sld [smem:$0x3FFE];
	_ =	sdelay $0x1  }
0x8a: {  	s1 =	srdreg.scid  }
0x8b: {  	s0 =	sand.u32 $0x1, s1  }
0x8c: {  	s17 =	sshll.u32 s0, $0xA;
	s2 =	sadd.s32 s3, s2  }
0x8d: {  	s2 =	sadd.s32 s2, s17  }
0x8e: {  	[smem:$0x3FC6] =	sst s2  }
0x8f: {  	_ = 	snop  }
0x90: {  	s2 =	sld [smem:$0x3FC9]  }
0x91: {  	s18 =	sld [smem:$0x3FD0];
	(tm) =	ssettm $0x1  }
0x92: {  	s4 =	sld [smem:$0x3FFB];
	_ =	sdelay $0x3  }
0x93: {  	_ =	strace s4  }
0x94: {  	s4 =	sld [smem:$0x3FFC];
	_ =	sdelay $0x3  }
0x95: {  	_ =	strace s4  }
0x96: {  	s4 =	sld [smem:$0x3FFD];
	_ =	sdelay $0x3  }
0x97: {  	_ =	strace s4  }
0x98: {  	_ =	strace $0x8FFFFFFF  }
0x99: {  	s19 =	sld [smem:$0x3FDB];
	_ =	sdelay $0x1  }
0x9a: {  	s5 =	simm.s32 $_scs_section_size  }
0x9b: {  	s6 =	simm.s32 $_size__tile_overlayer_lowered;
	s7 =	simm.s32 $_tile_overlayer_lowered  }
0x9c: {  	s22 =	simm.s32 $0x1BFF;
	s21 =	sshll.u32 s7, $0x1;
	s4 =	sadd.s32 s5, s19  }
0x9d: {  	s8 =	simm.s32 $0x0;
	s20 =	sshll.u32 s6, $0x1;
	s6 =	sadd.s32 s21, s4  }
0x9e: {  	[timem:s8], [sflag:s22] =	dma.local [hbm:s6], s20  }
0x9f: {  	_ =	swait.ge [sflag:s22], s20  }
0xa0: {  	s5 =	ssub.s32 $0x0, s20;
	[sflag:s22] =	ssyncset.done $0x0  }
0xa1: {  	[sflag:s22] =	ssyncadd.s32 s5;
	_ =	sdelay $0x1  }
0xa2: {  	s23 =	simm.s32 $0x1B8B  }
0xa3: {  	_ =	swait.ge [sflag:s23], $0x1  }
0xa4: {  	[sflag:s23] =	ssyncset.done $0x0  }
0xa5: {  	s25 =	simm.s32 $0x1B8E;
	s24 =	sld [smem:$0x3FFE];
	[sflag:s23] =	ssyncadd.s32 $0xFFFFFFFF  }
0xa6: {  	s26 =	simm.s32 $execute0_lowered;
	[smem:$0x3FD2] =	sst s25  }
0xa7: {  	s6 =	sshll.u32 s26, $0x1;
	_ =	strace $0x80000046;
	[dreg:$0x1] =	wrdreg $0xFFFFFFFF  }
0xa8: {  	s28 =	simm.s32 $_size_execute0_lowered;
	s4 =	sadd.s32 s4, s6;
	[dreg:$0x0] =	wrdreg $0x0  }
0xa9: {  	s6 =	sshll.u32 s28, $0x1;
	[dreg:$0x2] =	wrdreg s4  }
0xaa: {  	[dreg:$0x3] =	wrdreg s6  }
0xab: {  	[dreg:$0x4] =	wrdreg $0xC0  }
0xac: {  	_ =	task [dreg:s8], $0x5FFFF  }
0xad: {  	[dreg:$0x1] =	wrdreg $0xFFFFFFFF  }
0xae: {  	[dreg:$0x0] =	wrdreg $0x60  }
0xaf: {  	[dreg:$0x2] =	wrdreg s2  }
0xb0: {  	[dreg:$0x3] =	wrdreg s18  }
0xb1: {  	[dreg:$0x4] =	wrdreg s24  }
0xb2: {  	[dreg:$0x5] =	wrdreg $0x9  }
0xb3: {  	_ =	task.clear_ibuf [dreg:s8], $0x6FFFF;
	_ =	strace $0x90000046  }
0xb4: {  	s29 =	simm.s32 $0x9;
	_ =	strace $0x80000048  }
0xb5: {  	_ =	swait.ge [sflag:s29], $0x1  }
0xb6: {  	[sflag:s29] =	ssyncadd.s32 $0xFFFFFFFF  }
0xb7: {  	_ =	strace $0x90000048  }
0xb8: {  	_ =	sfence  }
0xb9: {  	s30 =	sld [smem:$0x0];
	_ =	sdelay $0x2  }
0xba: {  	s31 =	sshll.u32 s1, $0xD;
	s1 =	sshrl.u32 s1, $0x2  }
0xbb: {  	s3 =	sand.u32 $0x4000, s31;
	s1 =	sadd.s32 s1, s30  }
0xbc: {  	s0 =	sor.u32 s3, s0;
	s1 =	sshll.u32 s1, $0x11  }
0xbd: {  	s0 =	sor.u32 s1, s0  }
0xbe: {  	s0 =	sadd.s32 $0x8F2B, s0  }
0xbf: {  	[sflag:s0] =	ssyncadd.remote.s32 $0x1  }
0xc0: {  	_ =	sfence.sel $0xFFFF  }
0xc1: {  	[dreg:$0x0] =	wrdreg $0xFFFFFFFF;
	(pc) =	sbr.abs _section_cstart, $3  }
0xc2: {  	[dreg:$0x1] =	wrdreg $0xFFFFFFFF  }
0xc3: {  	_ =	task.clear_ibuf [dreg:s8], $0x2FFFF;
	_ =	strace $0x9FFFFFFF  }
0xc4: {  	(tm) =	ssettm $0x7FFFFFFF  }
0xc5: {  	_ =	shalt  }
tec
execute0_lowered:
.L_overlay_start_1:
0x0: {  	(tag) =	ssettag $0x1  }
0x1: {  	s1 =	rddreg [dreg:$0x0]  }
0x2: {  	s0 =	rddreg [dreg:$0x2]  }
0x3: {  	s2 =	srdreg.scid;
	s3 =	simm.s32 $0x0;
	s6 =	stileid.u32  }
0x4: {  	s9 =	simm.s32 $0x2;
	s10 =	simm.s32 $0x20;
	s12 =	simm.s32 $0x80  }
0x5: {  	s13 =	simm.s32 $0x1800;
	s14 =	simm.s32 $0x100;
	s15 =	simm.s32 $0x2800  }
0x6: {  	s16 =	simm.s32 $0x180;
	s17 =	simm.s32 $0x3800;
	s18 =	simm.s32 $0x200  }
0x7: {  	s19 =	simm.s32 $0x4800;
	s20 =	simm.s32 $0x280;
	s21 =	simm.s32 $0x5800  }
0x8: {  	s22 =	simm.s32 $0x300;
	s23 =	simm.s32 $0x6800;
	s24 =	simm.s32 $0x380  }
0x9: {  	s28 =	simm.s32 $0x8800;
	s29 =	simm.s32 $0x480;
	s30 =	simm.s32 $0x9800  }
0xa: {  	s31 =	simm.s32 $0x1;
	s2 =	sand.u32 $0x1, s2;
	s7 =	smul.u32 $0x2E, s6  }
0xb: {  	[smem:$0x7FF] =	sst s3;
	s5 =	sadd.s32 $0x400, s0;
	s3 =	smul.u32 $0x34, s6  }
0xc: {  	s6 =	simm.s32 $0x34;
	s25 =	ssub.s32 $0x2, s2;
	_ =	strace $0x80000047  }
0xd: {  	p0 =	seq.s32 s2, $0x0;
	s4 =	sshrl.u32 s25, $0x1;
	s7 =	sadd.s32 $0x340, s7  }
0xe: {  	s6 =	simm.s32 @!p0 $0x2E;
	s26 =	ssub.s32 s25, s4;
	s7 =	smov.u32 @p0 s3  }
0xf: {  	s25 =	simm.s32 $0x7800;
	s3 =	simm.s32 $0x0;
	s0 =	smax.u32 s26, $0x1  }
0x10: {  	s26 =	simm.s32 $0x400;
	[dreg:$0x4] =	wrdreg s0;
	s0 =	simm.s32 $0xA800  }
.LBB2_1:
0x11: {  	[dreg:$0x5] =	wrdreg s3;
	s8 =	simm.s32 $0x0  }
.LBB2_2:
0x12: {  	s3 =	sadd.s32 s7, s8  }
0x13: {  	s4 =	rddreg [dreg:$0x1];
	s2 =	sshll.u32 s3, $0x8  }
0x14: {  	s2 =	sadd.s32 s4, s2;
	s4 =	simm.s32 $0x0  }
0x15: {  	[tilespmem:s4], [sflag:$0x2] =	stream.linear.gather [hbm4b:s2+s4], $0x500, $0x38;
	[tilespmem:$0xB800] =	vst v63  }
0x16: {  	_ =	swait.ge [sflag:s9], $0x500  }
0x17: {  	[sflag:s9] =	ssyncset.done $0x0  }
0x18: {  	s11 =	simm.s32 $0x800;
	[sflag:s9] =	ssyncadd.s32 $0xFFFFFB00  }
0x19: {  	[tilespmem:s11], [sflag:$0x1] =	stream.indirect.gather [hbm4b:s1+s10], $0x80, s4, s10, $0xb8;
	[tilespmem:$0xB800] =	vst v63  }
0x1a: {  	_ = 	snop  }
0x1b: {  	[tilespmem:s13], [sflag:$0x1] =	stream.indirect.gather [hbm4b:s1+s10], $0x80, s12, s10, $0xb8;
	[tilespmem:$0xB800] =	vst v63  }
0x1c: {  	_ = 	snop  }
0x1d: {  	[tilespmem:s15], [sflag:$0x1] =	stream.indirect.gather [hbm4b:s1+s10], $0x80, s14, s10, $0xb8;
	[tilespmem:$0xB800] =	vst v63  }
0x1e: {  	_ = 	snop  }
0x1f: {  	[tilespmem:s17], [sflag:$0x1] =	stream.indirect.gather [hbm4b:s1+s10], $0x80, s16, s10, $0xb8;
	[tilespmem:$0xB800] =	vst v63  }
0x20: {  	_ = 	snop  }
0x21: {  	[tilespmem:s19], [sflag:$0x1] =	stream.indirect.gather [hbm4b:s1+s10], $0x80, s18, s10, $0xb8;
	[tilespmem:$0xB800] =	vst v63  }
0x22: {  	_ = 	snop  }
0x23: {  	[tilespmem:s21], [sflag:$0x1] =	stream.indirect.gather [hbm4b:s1+s10], $0x80, s20, s10, $0xb8;
	[tilespmem:$0xB800] =	vst v63  }
0x24: {  	_ = 	snop  }
0x25: {  	[tilespmem:s23], [sflag:$0x1] =	stream.indirect.gather [hbm4b:s1+s10], $0x80, s22, s10, $0xb8;
	[tilespmem:$0xB800] =	vst v63  }
0x26: {  	_ = 	snop  }
0x27: {  	[tilespmem:s25], [sflag:$0x1] =	stream.indirect.gather [hbm4b:s1+s10], $0x80, s24, s10, $0xb8;
	[tilespmem:$0xB800] =	vst v63  }
0x28: {  	_ = 	snop  }
0x29: {  	[tilespmem:s28], [sflag:$0x1] =	stream.indirect.gather [hbm4b:s1+s10], $0x80, s26, s10, $0xb8;
	[tilespmem:$0xB800] =	vst v63  }
0x2a: {  	_ = 	snop  }
0x2b: {  	[tilespmem:s30], [sflag:$0x1] =	stream.indirect.gather [hbm4b:s1+s10], $0x80, s29, s10, $0xb8;
	[tilespmem:$0xB800] =	vst v63  }
0x2c: {  	_ =	swait.ge [sflag:s31], $0x1000  }
0x2d: {  	[sflag:s31] =	ssyncset.done $0x0  }
0x2e: {  	[sflag:s31] =	ssyncadd.s32 $0xFFFFF000  }
0x2f: {  	_ =	swait.ge [sflag:s31], $0x1000  }
0x30: {  	[sflag:s31] =	ssyncset.done $0x0  }
0x31: {  	[sflag:s31] =	ssyncadd.s32 $0xFFFFF000  }
0x32: {  	_ =	swait.ge [sflag:s31], $0x1000  }
0x33: {  	[sflag:s31] =	ssyncset.done $0x0  }
0x34: {  	[sflag:s31] =	ssyncadd.s32 $0xFFFFF000  }
0x35: {  	_ =	swait.ge [sflag:s31], $0x1000  }
0x36: {  	[sflag:s31] =	ssyncset.done $0x0  }
0x37: {  	[sflag:s31] =	ssyncadd.s32 $0xFFFFF000  }
0x38: {  	_ =	swait.ge [sflag:s31], $0x1000  }
0x39: {  	[sflag:s31] =	ssyncset.done $0x0  }
0x3a: {  	[sflag:s31] =	ssyncadd.s32 $0xFFFFF000  }
0x3b: {  	_ =	swait.ge [sflag:s31], $0x1000  }
0x3c: {  	[sflag:s31] =	ssyncset.done $0x0  }
0x3d: {  	[sflag:s31] =	ssyncadd.s32 $0xFFFFF000  }
0x3e: {  	_ =	swait.ge [sflag:s31], $0x1000  }
0x3f: {  	[sflag:s31] =	ssyncset.done $0x0  }
0x40: {  	[sflag:s31] =	ssyncadd.s32 $0xFFFFF000  }
0x41: {  	_ =	swait.ge [sflag:s31], $0x1000  }
0x42: {  	[sflag:s31] =	ssyncset.done $0x0  }
0x43: {  	[sflag:s31] =	ssyncadd.s32 $0xFFFFF000  }
0x44: {  	_ =	swait.ge [sflag:s31], $0x1000  }
0x45: {  	[sflag:s31] =	ssyncset.done $0x0  }
0x46: {  	[sflag:s31] =	ssyncadd.s32 $0xFFFFF000  }
0x47: {  	_ =	swait.ge [sflag:s31], $0x1000  }
0x48: {  	[sflag:s31] =	ssyncset.done $0x0  }
0x49: {  	s2 =	simm.s32 $0x0;
	[sflag:s31] =	ssyncadd.s32 $0xFFFFF000  }
0x4a: {  	v0 =	vld [tilespmem:s2+$0x870]  }
0x4b: {  	v1 =	vld [tilespmem:s2+$0x1870]  }
0x4c: {  	v2 =	vld [tilespmem:s2+$0x2870]  }
0x4d: {  	v3 =	vld [tilespmem:s2+$0x3870]  }
0x4e: {  	v4 =	vld [tilespmem:s2+$0x4870]  }
0x4f: {  	v5 =	vld [tilespmem:s2+$0x5870]  }
0x50: {  	v6 =	vld [tilespmem:s2+$0x6870]  }
0x51: {  	v7 =	vld [tilespmem:s2+$0x1830]  }
0x52: {  	v8 =	vld [tilespmem:s2+$0x840]  }
0x53: {  	v9 =	vld [tilespmem:s2+$0x1840]  }
0x54: {  	v10 =	vld [tilespmem:s2+$0x850]  }
0x55: {  	v11 =	vld [tilespmem:s2+$0x1850]  }
0x56: {  	v12 =	vld [tilespmem:s2+$0x860]  }
0x57: {  	v13 =	vld [tilespmem:s2+$0x1860]  }
0x58: {  	v14 =	vld [tilespmem:s2+$0x2800]  }
0x59: {  	v15 =	vld [tilespmem:s2+$0x2810]  }
0x5a: {  	v16 =	vld [tilespmem:s2+$0x2820]  }
0x5b: {  	v17 =	vld [tilespmem:s2+$0x2830]  }
0x5c: {  	v18 =	vld [tilespmem:s2+$0x2840]  }
0x5d: {  	v19 =	vld [tilespmem:s2+$0x2850]  }
0x5e: {  	v20 =	vld [tilespmem:s2+$0x2860]  }
0x5f: {  	v21 =	vld [tilespmem:s2+$0x3800]  }
0x60: {  	v22 =	vld [tilespmem:s2+$0x3810]  }
0x61: {  	v23 =	vld [tilespmem:s2+$0x3820]  }
0x62: {  	v24 =	vld [tilespmem:s2+$0x3830]  }
0x63: {  	v25 =	vld [tilespmem:s2+$0x3840]  }
0x64: {  	v26 =	vld [tilespmem:s2+$0x3850]  }
0x65: {  	v27 =	vld [tilespmem:s2+$0x3860]  }
0x66: {  	v28 =	vld [tilespmem:s2+$0x4800]  }
0x67: {  	v29 =	vld [tilespmem:s2+$0x4810]  }
0x68: {  	v30 =	vld [tilespmem:s2+$0x4820]  }
0x69: {  	v31 =	vld [tilespmem:s2+$0x4830]  }
0x6a: {  	v32 =	vld [tilespmem:s2+$0x4840]  }
0x6b: {  	v33 =	vld [tilespmem:s2+$0x4850]  }
0x6c: {  	v34 =	vld [tilespmem:s2+$0x4860]  }
0x6d: {  	v35 =	vld [tilespmem:s2+$0x5800]  }
0x6e: {  	v36 =	vld [tilespmem:s2+$0x5810]  }
0x6f: {  	v37 =	vld [tilespmem:s2+$0x5820]  }
0x70: {  	v38 =	vld [tilespmem:s2+$0x5830]  }
0x71: {  	v39 =	vld [tilespmem:s2+$0x5840]  }
0x72: {  	v40 =	vld [tilespmem:s2+$0x5850]  }
0x73: {  	v41 =	vld [tilespmem:s2+$0x5860]  }
0x74: {  	v42 =	vld [tilespmem:s2+$0x6800]  }
0x75: {  	v43 =	vld [tilespmem:s2+$0x6810]  }
0x76: {  	v44 =	vld [tilespmem:s2+$0x6820]  }
0x77: {  	v45 =	vld [tilespmem:s2+$0x6830]  }
0x78: {  	v46 =	vld [tilespmem:s2+$0x6840]  }
0x79: {  	v47 =	vld [tilespmem:s2+$0x6850]  }
0x7a: {  	v48 =	vld [tilespmem:s2+$0x6860]  }
0x7b: {  	v49 =	vld [tilespmem:s2+$0x7800]  }
0x7c: {  	v0 =	vmax.f32 v0, v1;
	v1 =	vld [tilespmem:s2+$0x7870]  }
0x7d: {  	v0 =	vmax.f32 v0, v2;
	v2 =	vld [tilespmem:s2+$0x8870]  }
0x7e: {  	v0 =	vmax.f32 v0, v3;
	v3 =	vld [tilespmem:s2+$0x9870]  }
0x7f: {  	v0 =	vmax.f32 v0, v4;
	v4 =	vld [tilespmem:s2+$0x800]  }
0x80: {  	v0 =	vmax.f32 v0, v5;
	v5 =	vld [tilespmem:s2+$0x1800]  }
0x81: {  	v0 =	vmax.f32 v0, v6;
	v6 =	vld [tilespmem:s2+$0x810]  }
0x82: {  	v0 =	vmax.f32 v0, v1;
	v1 =	vld [tilespmem:s2+$0x1810]  }
0x83: {  	v0 =	vmax.f32 v0, v2;
	v2 =	vld [tilespmem:s2+$0x820]  }
0x84: {  	v0 =	vmax.f32 v0, v3;
	v3 =	vld [tilespmem:s2+$0x1820]  }
0x85: {  	v50 =	vld [tilespmem:s2+$0x7810]  }
0x86: {  	[tilespmem:s2+$0xA870] =	vst v0;
	v0 =	vld [tilespmem:s2+$0x830];
	v4 =	vmax.f32 v4, v5  }
0x87: {  	v51 =	vld [tilespmem:s2+$0x7820];
	v4 =	vmax.f32 v4, v14;
	v1 =	vmax.f32 v6, v1  }
0x88: {  	v52 =	vld [tilespmem:s2+$0x7830];
	v4 =	vmax.f32 v4, v21;
	v1 =	vmax.f32 v1, v15  }
0x89: {  	v53 =	vld [tilespmem:s2+$0x8830];
	v4 =	vmax.f32 v4, v28;
	v2 =	vmax.f32 v2, v3;
	v3 =	vmax.f32 v8, v9  }
0x8a: {  	v54 =	vld [tilespmem:s2+$0x8840];
	v8 =	vmax.f32 v12, v13;
	v1 =	vmax.f32 v1, v22;
	v4 =	vmax.f32 v4, v35  }
0x8b: {  	v55 =	vld [tilespmem:s2+$0x8850];
	v0 =	vmax.f32 v0, v7;
	v7 =	vmax.f32 v10, v11;
	v2 =	vmax.f32 v2, v16  }
0x8c: {  	v56 =	vld [tilespmem:s2+$0x8860];
	v3 =	vmax.f32 v3, v18;
	v8 =	vmax.f32 v8, v20;
	v1 =	vmax.f32 v1, v29  }
0x8d: {  	v57 =	vld [tilespmem:s2+$0x9800];
	v4 =	vmax.f32 v4, v42;
	v0 =	vmax.f32 v0, v17;
	v7 =	vmax.f32 v7, v19  }
0x8e: {  	v5 =	vld [tilespmem:s2+$0x7840];
	v2 =	vmax.f32 v2, v23;
	v3 =	vmax.f32 v3, v25;
	v8 =	vmax.f32 v8, v27  }
0x8f: {  	v6 =	vld [tilespmem:s2+$0x7850];
	v1 =	vmax.f32 v1, v36;
	v0 =	vmax.f32 v0, v24;
	v7 =	vmax.f32 v7, v26  }
0x90: {  	v10 =	vld [tilespmem:s2+$0x8800];
	v2 =	vmax.f32 v2, v30;
	v3 =	vmax.f32 v3, v32;
	v8 =	vmax.f32 v8, v34  }
0x91: {  	v9 =	vld [tilespmem:s2+$0x7860];
	v59 =	vmax.f32 v1, v43;
	v1 =	vmax.f32 v4, v49;
	v0 =	vmax.f32 v0, v31  }
0x92: {  	v12 =	vld [tilespmem:s2+$0x8820];
	v7 =	vmax.f32 v7, v33;
	v2 =	vmax.f32 v2, v37;
	v3 =	vmax.f32 v3, v39  }
0x93: {  	v11 =	vld [tilespmem:s2+$0x8810];
	v8 =	vmax.f32 v8, v41;
	v0 =	vmax.f32 v0, v38;
	v7 =	vmax.f32 v7, v40  }
0x94: {  	v58 =	vld [tilespmem:s2+$0x9810];
	v2 =	vmax.f32 v2, v44;
	v3 =	vmax.f32 v3, v46;
	v61 =	vmax.f32 v0, v45  }
0x95: {  	v60 =	vld [tilespmem:s2+$0x9820];
	v4 =	vmax.f32 v7, v47;
	v7 =	vmax.f32 v8, v48;
	v8 =	vmax.f32 v1, v10  }
0x96: {  	v0 =	vld [tilespmem:s2+$0x9830];
	v10 =	vmax.f32 v59, v50;
	v62 =	vmax.f32 v2, v51;
	v3 =	vmax.f32 v3, v5  }
0x97: {  	v1 =	vld [tilespmem:s2+$0x9840];
	v8 =	vmax.f32 v8, v57;
	v63 =	vmax.f32 v61, v52;
	v4 =	vmax.f32 v4, v6  }
0x98: {  	v2 =	vld [tilespmem:s2+$0x9850];
	v9 =	vmax.f32 v7, v9;
	v6 =	vmax.f32 v10, v11;
	v10 =	vmax.f32 v62, v12  }
0x99: {  	s11 =	simm.s32 $0x80;
	v5 =	vld [tilespmem:s2+$0x9860];
	v7 =	vmax.f32 v3, v54;
	[tilespmem:s2+$0xA800] =	vst v8;
	v8 =	vmax.f32 v63, v53;
	v11 =	vmax.f32 v6, v58  }
0x9a: {  	s4 =	simm.s32 $0x400;
	v6 =	vmax.f32 v4, v55;
	v4 =	vmax.f32 v9, v56;
	v9 =	vmax.f32 v10, v60;
	v3 =	vld [tilespmem:s11+$0x870];
	[tilespmem:s2+$0xA810] =	vst v11  }
.LBB2_3:
0x9b: {  	p0 =	sne.s32 s4, $0x3E00;
	v10 =	vld [tilespmem:s11+$0x1870];
	[tilespmem:s2+$0xA820] =	vst v9;
	v0 =	vmax.f32 v8, v0  }
0x9c: {  	v8 =	vld [tilespmem:s11+$0x2870];
	[tilespmem:s2+$0xA830] =	vst v0;
	v0 =	vmax.f32 v7, v1  }
0x9d: {  	v1 =	vld [tilespmem:s11+$0x3870];
	[tilespmem:s2+$0xA840] =	vst v0;
	v0 =	vmax.f32 v6, v2  }
0x9e: {  	v2 =	vld [tilespmem:s11+$0x4870];
	[tilespmem:s2+$0xA850] =	vst v0;
	v0 =	vmax.f32 v4, v5  }
0x9f: {  	v4 =	vld [tilespmem:s11+$0x5870];
	[tilespmem:s2+$0xA860] =	vst v0;
	s2 =	smov.u32 s11  }
0xa0: {  	v0 =	vmax.f32 v3, v10;
	v3 =	vld [tilespmem:s2+$0x6870]  }
0xa1: {  	v0 =	vmax.f32 v0, v8;
	v5 =	vld [tilespmem:s2+$0x7870]  }
0xa2: {  	v0 =	vmax.f32 v0, v1;
	v1 =	vld [tilespmem:s2+$0x8870]  }
0xa3: {  	v0 =	vmax.f32 v0, v2;
	v2 =	vld [tilespmem:s2+$0x9870]  }
0xa4: {  	v6 =	vld [tilespmem:s2+$0x800];
	v0 =	vmax.f32 v0, v4  }
0xa5: {  	v4 =	vld [tilespmem:s2+$0x1800];
	v0 =	vmax.f32 v0, v3  }
0xa6: {  	v3 =	vld [tilespmem:s2+$0x810];
	v0 =	vmax.f32 v0, v5  }
0xa7: {  	v5 =	vld [tilespmem:s2+$0x1810];
	v0 =	vmax.f32 v0, v1  }
0xa8: {  	v1 =	vld [tilespmem:s2+$0x820];
	v0 =	vmax.f32 v0, v2  }
0xa9: {  	v2 =	vld [tilespmem:s2+$0x1820];
	[tilespmem:s2+$0xA870] =	vst v0  }
0xaa: {  	v0 =	vmax.f32 v6, v4;
	v4 =	vld [tilespmem:s2+$0x830]  }
0xab: {  	v6 =	vld [tilespmem:s2+$0x1830]  }
0xac: {  	v3 =	vmax.f32 v3, v5;
	v5 =	vld [tilespmem:s2+$0x840]  }
0xad: {  	v7 =	vld [tilespmem:s2+$0x1840]  }
0xae: {  	v1 =	vmax.f32 v1, v2;
	v2 =	vld [tilespmem:s2+$0x850]  }
0xaf: {  	v8 =	vld [tilespmem:s2+$0x1850]  }
0xb0: {  	v4 =	vmax.f32 v4, v6;
	v6 =	vld [tilespmem:s2+$0x860]  }
0xb1: {  	v9 =	vld [tilespmem:s2+$0x1860]  }
0xb2: {  	v10 =	vld [tilespmem:s2+$0x2800];
	v5 =	vmax.f32 v5, v7  }
0xb3: {  	v7 =	vld [tilespmem:s2+$0x2810]  }
0xb4: {  	v11 =	vld [tilespmem:s2+$0x2820];
	v2 =	vmax.f32 v2, v8  }
0xb5: {  	v8 =	vld [tilespmem:s2+$0x2830]  }
0xb6: {  	v12 =	vld [tilespmem:s2+$0x2840];
	v6 =	vmax.f32 v6, v9  }
0xb7: {  	v0 =	vmax.f32 v0, v10;
	v9 =	vld [tilespmem:s2+$0x2850]  }
0xb8: {  	v3 =	vmax.f32 v3, v7;
	v7 =	vld [tilespmem:s2+$0x2860]  }
0xb9: {  	v10 =	vld [tilespmem:s2+$0x3800];
	v1 =	vmax.f32 v1, v11  }
0xba: {  	v11 =	vld [tilespmem:s2+$0x3810];
	v4 =	vmax.f32 v4, v8  }
0xbb: {  	v8 =	vld [tilespmem:s2+$0x3820];
	v5 =	vmax.f32 v5, v12  }
0xbc: {  	v12 =	vld [tilespmem:s2+$0x3830];
	v2 =	vmax.f32 v2, v9  }
0xbd: {  	v9 =	vld [tilespmem:s2+$0x3840];
	v6 =	vmax.f32 v6, v7  }
0xbe: {  	v0 =	vmax.f32 v0, v10;
	v7 =	vld [tilespmem:s2+$0x3850]  }
0xbf: {  	v3 =	vmax.f32 v3, v11;
	v10 =	vld [tilespmem:s2+$0x3860]  }
0xc0: {  	v11 =	vld [tilespmem:s2+$0x4800];
	v1 =	vmax.f32 v1, v8  }
0xc1: {  	v8 =	vld [tilespmem:s2+$0x4810];
	v4 =	vmax.f32 v4, v12  }
0xc2: {  	v12 =	vld [tilespmem:s2+$0x4820];
	v5 =	vmax.f32 v5, v9  }
0xc3: {  	v9 =	vld [tilespmem:s2+$0x4830];
	v2 =	vmax.f32 v2, v7  }
0xc4: {  	v7 =	vld [tilespmem:s2+$0x4840];
	v6 =	vmax.f32 v6, v10  }
0xc5: {  	v0 =	vmax.f32 v0, v11;
	v10 =	vld [tilespmem:s2+$0x4850]  }
0xc6: {  	v3 =	vmax.f32 v3, v8;
	v8 =	vld [tilespmem:s2+$0x4860]  }
0xc7: {  	v11 =	vld [tilespmem:s2+$0x5800];
	v1 =	vmax.f32 v1, v12  }
0xc8: {  	v12 =	vld [tilespmem:s2+$0x5810];
	v4 =	vmax.f32 v4, v9  }
0xc9: {  	v9 =	vld [tilespmem:s2+$0x5820];
	v5 =	vmax.f32 v5, v7  }
0xca: {  	v7 =	vld [tilespmem:s2+$0x5830];
	v2 =	vmax.f32 v2, v10  }
0xcb: {  	v10 =	vld [tilespmem:s2+$0x5840];
	v6 =	vmax.f32 v6, v8  }
0xcc: {  	v0 =	vmax.f32 v0, v11;
	v8 =	vld [tilespmem:s2+$0x5850]  }
0xcd: {  	v3 =	vmax.f32 v3, v12;
	v11 =	vld [tilespmem:s2+$0x5860]  }
0xce: {  	v12 =	vld [tilespmem:s2+$0x6800];
	v1 =	vmax.f32 v1, v9  }
0xcf: {  	v9 =	vld [tilespmem:s2+$0x6810];
	v4 =	vmax.f32 v4, v7  }
0xd0: {  	v7 =	vld [tilespmem:s2+$0x6820];
	v5 =	vmax.f32 v5, v10  }
0xd1: {  	v10 =	vld [tilespmem:s2+$0x6830];
	v2 =	vmax.f32 v2, v8  }
0xd2: {  	v8 =	vld [tilespmem:s2+$0x6840];
	v6 =	vmax.f32 v6, v11  }
0xd3: {  	v0 =	vmax.f32 v0, v12;
	v11 =	vld [tilespmem:s2+$0x6850]  }
0xd4: {  	v3 =	vmax.f32 v3, v9;
	v9 =	vld [tilespmem:s2+$0x6860]  }
0xd5: {  	v12 =	vld [tilespmem:s2+$0x7800];
	v1 =	vmax.f32 v1, v7  }
0xd6: {  	v7 =	vld [tilespmem:s2+$0x7810];
	v4 =	vmax.f32 v4, v10  }
0xd7: {  	v10 =	vld [tilespmem:s2+$0x7820];
	v5 =	vmax.f32 v5, v8  }
0xd8: {  	v8 =	vld [tilespmem:s2+$0x7830];
	v2 =	vmax.f32 v2, v11  }
0xd9: {  	v11 =	vld [tilespmem:s2+$0x7840];
	v6 =	vmax.f32 v6, v9  }
0xda: {  	v0 =	vmax.f32 v0, v12;
	v9 =	vld [tilespmem:s2+$0x7850]  }
0xdb: {  	v3 =	vmax.f32 v3, v7;
	v7 =	vld [tilespmem:s2+$0x7860]  }
0xdc: {  	v12 =	vld [tilespmem:s2+$0x8800];
	v1 =	vmax.f32 v1, v10  }
0xdd: {  	v10 =	vld [tilespmem:s2+$0x8810];
	v4 =	vmax.f32 v4, v8  }
0xde: {  	v8 =	vld [tilespmem:s2+$0x8820];
	v5 =	vmax.f32 v5, v11  }
0xdf: {  	v11 =	vld [tilespmem:s2+$0x8830];
	v2 =	vmax.f32 v2, v9  }
0xe0: {  	v9 =	vld [tilespmem:s2+$0x8840];
	v13 =	vmax.f32 v6, v7  }
0xe1: {  	v12 =	vmax.f32 v0, v12;
	v6 =	vld [tilespmem:s2+$0x8850]  }
0xe2: {  	v3 =	vmax.f32 v3, v10;
	v10 =	vld [tilespmem:s2+$0x8860]  }
0xe3: {  	v14 =	vld [tilespmem:s2+$0x9800];
	v15 =	vmax.f32 v1, v8  }
0xe4: {  	v16 =	vld [tilespmem:s2+$0x9810];
	v8 =	vmax.f32 v4, v11  }
0xe5: {  	v11 =	vld [tilespmem:s2+$0x9820];
	v7 =	vmax.f32 v5, v9  }
.Ltmp0:
0xe6: {  	v0 =	vld [tilespmem:s2+$0x9830];
	v6 =	vmax.f32 v2, v6;
	(pc) =	sbr.rel @p0 .LBB2_3-.Ltmp0, $4  }
0xe7: {  	v1 =	vld [tilespmem:s2+$0x9840];
	v4 =	vmax.f32 v13, v10  }
0xe8: {  	v5 =	vmax.f32 v12, v14;
	v2 =	vld [tilespmem:s2+$0x9850]  }
0xe9: {  	s11 =	sshra.s32 s4, $0x2;
	[tilespmem:s2+$0xA800] =	vst v5;
	v9 =	vmax.f32 v3, v16;
	v5 =	vld [tilespmem:s2+$0x9860]  }
0xea: {  	s4 =	sadd.s32 $0x200, s4;
	v3 =	vld [tilespmem:s11+$0x870];
	[tilespmem:s2+$0xA810] =	vst v9;
	v9 =	vmax.f32 v15, v11  }
0xeb: {  	v10 =	vld [tilespmem:s11+$0x1870];
	[tilespmem:s2+$0xA820] =	vst v9;
	v0 =	vmax.f32 v8, v0  }
0xec: {  	v48 =	vld [tilespmem:s11+$0x2870];
	[tilespmem:s2+$0xA830] =	vst v0;
	v49 =	vmax.f32 v7, v1  }
0xed: {  	v50 =	vld [tilespmem:s11+$0x3870];
	[tilespmem:s2+$0xA840] =	vst v49;
	v51 =	vmax.f32 v6, v2  }
0xee: {  	v52 =	vld [tilespmem:s11+$0x4870];
	[tilespmem:s2+$0xA850] =	vst v51;
	v53 =	vmax.f32 v4, v5  }
0xef: {  	v54 =	vld [tilespmem:s11+$0x5870];
	[tilespmem:s2+$0xA860] =	vst v53  }
0xf0: {  	v0 =	vld [tilespmem:s11+$0x6870]  }
0xf1: {  	v55 =	vld [tilespmem:s11+$0x7870]  }
0xf2: {  	v56 =	vld [tilespmem:s11+$0x8870]  }
0xf3: {  	v57 =	vld [tilespmem:s11+$0x9870]  }
0xf4: {  	v2 =	vld [tilespmem:s11+$0x800]  }
0xf5: {  	v4 =	vld [tilespmem:s11+$0x1800]  }
0xf6: {  	v58 =	vld [tilespmem:s11+$0x810]  }
0xf7: {  	v59 =	vld [tilespmem:s11+$0x1810]  }
0xf8: {  	v60 =	vld [tilespmem:s11+$0x820]  }
0xf9: {  	v61 =	vld [tilespmem:s11+$0x1820]  }
0xfa: {  	v62 =	vld [tilespmem:s11+$0x830]  }
0xfb: {  	v63 =	vld [tilespmem:s11+$0x1830]  }
0xfc: {  	v9 =	vld [tilespmem:s11+$0x1840]  }
0xfd: {  	v11 =	vld [tilespmem:s11+$0x1850]  }
0xfe: {  	v12 =	vld [tilespmem:s11+$0x860]  }
0xff: {  	v13 =	vld [tilespmem:s11+$0x1860]  }
0x100: {  	v14 =	vld [tilespmem:s11+$0x2800]  }
0x101: {  	v15 =	vld [tilespmem:s11+$0x2810]  }
0x102: {  	v16 =	vld [tilespmem:s11+$0x2820]  }
0x103: {  	v17 =	vld [tilespmem:s11+$0x2830]  }
0x104: {  	v18 =	vld [tilespmem:s11+$0x2840]  }
0x105: {  	v19 =	vld [tilespmem:s11+$0x2850]  }
0x106: {  	v20 =	vld [tilespmem:s11+$0x2860]  }
0x107: {  	v21 =	vld [tilespmem:s11+$0x3800]  }
0x108: {  	v22 =	vld [tilespmem:s11+$0x3810]  }
0x109: {  	v23 =	vld [tilespmem:s11+$0x3820]  }
0x10a: {  	v24 =	vld [tilespmem:s11+$0x3830]  }
0x10b: {  	v25 =	vld [tilespmem:s11+$0x3840]  }
0x10c: {  	v26 =	vld [tilespmem:s11+$0x3850]  }
0x10d: {  	v27 =	vld [tilespmem:s11+$0x3860]  }
0x10e: {  	v28 =	vld [tilespmem:s11+$0x4800]  }
0x10f: {  	v29 =	vld [tilespmem:s11+$0x4810]  }
0x110: {  	v30 =	vld [tilespmem:s11+$0x4820]  }
0x111: {  	v31 =	vld [tilespmem:s11+$0x4830]  }
0x112: {  	v32 =	vld [tilespmem:s11+$0x4840]  }
0x113: {  	v33 =	vld [tilespmem:s11+$0x4850]  }
0x114: {  	v34 =	vld [tilespmem:s11+$0x4860]  }
0x115: {  	v35 =	vld [tilespmem:s11+$0x5800]  }
0x116: {  	v36 =	vld [tilespmem:s11+$0x5810]  }
0x117: {  	v37 =	vld [tilespmem:s11+$0x5820]  }
0x118: {  	v38 =	vld [tilespmem:s11+$0x5830]  }
0x119: {  	v39 =	vld [tilespmem:s11+$0x5840]  }
0x11a: {  	v40 =	vld [tilespmem:s11+$0x5850]  }
0x11b: {  	v41 =	vld [tilespmem:s11+$0x5860]  }
0x11c: {  	v42 =	vld [tilespmem:s11+$0x6800]  }
0x11d: {  	v43 =	vld [tilespmem:s11+$0x6810]  }
0x11e: {  	v44 =	vld [tilespmem:s11+$0x6820]  }
0x11f: {  	v45 =	vld [tilespmem:s11+$0x6830]  }
0x120: {  	v46 =	vld [tilespmem:s11+$0x6840]  }
0x121: {  	v47 =	vld [tilespmem:s11+$0x6850]  }
0x122: {  	v3 =	vmax.f32 v3, v10;
	v49 =	vld [tilespmem:s11+$0x7800]  }
0x123: {  	v51 =	vld [tilespmem:s11+$0x7820];
	v3 =	vmax.f32 v3, v48  }
0x124: {  	v53 =	vld [tilespmem:s11+$0x7840];
	v1 =	vmax.f32 v3, v50  }
0x125: {  	v48 =	vld [tilespmem:s11+$0x6860];
	v1 =	vmax.f32 v1, v52  }
0x126: {  	v50 =	vld [tilespmem:s11+$0x7810];
	v1 =	vmax.f32 v1, v54  }
0x127: {  	v52 =	vld [tilespmem:s11+$0x7830];
	v0 =	vmax.f32 v1, v0  }
0x128: {  	v54 =	vld [tilespmem:s11+$0x9850];
	v2 =	vmax.f32 v2, v4;
	v1 =	vmax.f32 v58, v59;
	v3 =	vmax.f32 v60, v61  }
0x129: {  	v4 =	vld [tilespmem:s11+$0x7850];
	v61 =	vmax.f32 v12, v13;
	v0 =	vmax.f32 v0, v55;
	v2 =	vmax.f32 v2, v14  }
0x12a: {  	v60 =	vld [tilespmem:s11+$0x7860];
	v1 =	vmax.f32 v1, v15;
	v3 =	vmax.f32 v3, v16;
	v8 =	vmax.f32 v61, v20  }
0x12b: {  	v0 =	vmax.f32 v0, v56;
	v56 =	vld [tilespmem:s11+$0x840];
	v2 =	vmax.f32 v2, v21;
	v1 =	vmax.f32 v1, v22  }
0x12c: {  	v21 =	vld [tilespmem:s11+$0x8820];
	v3 =	vmax.f32 v3, v23;
	v8 =	vmax.f32 v8, v27;
	v0 =	vmax.f32 v0, v57  }
0x12d: {  	v27 =	vld [tilespmem:s11+$0x8840];
	v2 =	vmax.f32 v2, v28;
	v1 =	vmax.f32 v1, v29;
	v3 =	vmax.f32 v3, v30  }
0x12e: {  	v57 =	vld [tilespmem:s11+$0x850];
	v8 =	vmax.f32 v8, v34;
	[tilespmem:s11+$0xA870] =	vst v0;
	v0 =	vmax.f32 v62, v63;
	v2 =	vmax.f32 v2, v35  }
0x12f: {  	v30 =	vld [tilespmem:s11+$0x8850];
	v1 =	vmax.f32 v1, v36;
	v3 =	vmax.f32 v3, v37;
	v8 =	vmax.f32 v8, v41  }
0x130: {  	v62 =	vld [tilespmem:s11+$0x8800];
	v0 =	vmax.f32 v0, v17;
	v2 =	vmax.f32 v2, v42;
	v1 =	vmax.f32 v1, v43  }
0x131: {  	v63 =	vld [tilespmem:s11+$0x8810];
	v3 =	vmax.f32 v3, v44;
	v8 =	vmax.f32 v8, v48;
	v0 =	vmax.f32 v0, v24  }
0x132: {  	v36 =	vld [tilespmem:s11+$0x9800];
	v2 =	vmax.f32 v2, v49;
	v1 =	vmax.f32 v1, v50;
	v3 =	vmax.f32 v3, v51  }
0x133: {  	v42 =	vld [tilespmem:s11+$0x9820];
	v58 =	vmax.f32 v56, v9;
	v0 =	vmax.f32 v0, v31;
	v55 =	vmax.f32 v3, v21  }
0x134: {  	v24 =	vld [tilespmem:s11+$0x8830];
	v59 =	vmax.f32 v57, v11;
	v5 =	vmax.f32 v58, v18;
	v0 =	vmax.f32 v0, v38  }
0x135: {  	v44 =	vld [tilespmem:s11+$0x9830];
	v6 =	vmax.f32 v59, v19;
	v5 =	vmax.f32 v5, v25;
	v0 =	vmax.f32 v0, v45  }
0x136: {  	v49 =	vld [tilespmem:s11+$0x9840];
	v2 =	vmax.f32 v2, v62;
	v6 =	vmax.f32 v6, v26;
	v5 =	vmax.f32 v5, v32  }
0x137: {  	v2 =	vmax.f32 v2, v36;
	v0 =	vmax.f32 v0, v52;
	v5 =	vmax.f32 v5, v39;
	v39 =	vld [tilespmem:s11+$0x9810]  }
0x138: {  	v57 =	vmax.f32 v55, v42;
	v6 =	vmax.f32 v6, v33;
	v33 =	vld [tilespmem:s11+$0x8860];
	v5 =	vmax.f32 v5, v46  }
0x139: {  	v56 =	vld [tilespmem:s11+$0x9860];
	[tilespmem:s11+$0xA800] =	vst v2;
	v0 =	vmax.f32 v0, v24;
	v6 =	vmax.f32 v6, v40;
	v5 =	vmax.f32 v5, v53  }
0x13a: {  	[tilespmem:s11+$0xA820] =	vst v57;
	v0 =	vmax.f32 v0, v44;
	v6 =	vmax.f32 v6, v47;
	v59 =	vmax.f32 v5, v27  }
0x13b: {  	v1 =	vmax.f32 v1, v63;
	[tilespmem:s11+$0xA830] =	vst v0;
	v58 =	vmax.f32 v6, v4;
	v61 =	vmax.f32 v59, v49  }
0x13c: {  	v60 =	vmax.f32 v8, v60;
	v2 =	vmax.f32 v58, v30;
	v1 =	vmax.f32 v1, v39;
	[tilespmem:s11+$0xA840] =	vst v61  }
0x13d: {  	s8 =	sadd.s32 $0x1, s8;
	v62 =	vmax.f32 v2, v54;
	[tilespmem:s11+$0xA810] =	vst v1;
	v1 =	vmax.f32 v60, v33  }
0x13e: {  	s4 =	sshll.u32 s3, $0x9;
	p0 =	sne.s32 s8, s6;
	[tilespmem:s11+$0xA850] =	vst v62;
	v63 =	vmax.f32 v1, v56  }
.Ltmp1:
0x13f: {  	s2 =	sadd.s32 s5, s4;
	[tilespmem:s11+$0xA860] =	vst v63;
	s11 =	simm.s32 $0x0;
	(pc) =	sbr.rel @p0 .LBB2_2-.Ltmp1, $4  }
0x140: {  	[hbm4b:s2+s11] =	stream.linear.scatter [tilespmem:s0], [sflag:$0x2], $0x1000, $0x38;
	[tilespmem:$0xB800] =	vst v63  }
0x141: {  	_ =	swait.ge [sflag:s9], $0x1000  }
0x142: {  	[sflag:s9] =	ssyncset.done $0x0  }
0x143: {  	[sflag:s9] =	ssyncadd.s32 $0xFFFFF000  }
0x144: {  	s3 =	rddreg [dreg:$0x5]  }
0x145: {  	s2 =	rddreg [dreg:$0x4];
	s3 =	sadd.s32 $0x1, s3  }
0x146: {  	p0 =	sne.s32 s3, s2  }
.Ltmp2:
0x147: {  	_ = 	snop;
	(pc) =	sbr.rel @p0 .LBB2_1-.Ltmp2, $1  }
0x148: {  	_ =	sdelay $0x3  }
0x149: {  	_ =	sfence.sel $0x180000  }
0x14a: {  	[bflag:$0x0] =	sbarrier.arrive $0xFFFF  }
0x14b: {  	_ =	strace $0x90000047  }
0x14c: {  	s0 =	stileid.u32;
	[bflag:$0x2] =	sbarrier.arrive $0xFFFF  }
0x14d: {  	p0 =	sne.s32 s0, $0x0;
	s0 =	rddreg [dreg:$0x3]  }
0x14e: {  	s0 =	sadd.s32 @!p0 $0x100000, s0  }
0x14f: {  	[sflag:s0] =	ssyncadd.tile.s32 @!p0 $0x1;
	_ =	shalt  }
.Lfunc_end2:
_tile_overlayer_lowered:
.L_overlay_start_2:
0x150: {  	(tag) =	ssettag $0x2  }
0x151: {  	s0 =	rddreg [dreg:$0x0];
	s2 =	stileid.u32  }
0x152: {  	s1 =	rddreg [dreg:$0x1];
	p0 =	sne.s32 s2, $0x0  }
0x153: {  	s3 =	rddreg [dreg:$0x2];
	[bflag:$0x3] =	sbarrier.arrive $0xFFFF;
	s2 =	simm.s32 @!p0 $0x1C02  }
0x154: {  	[timem:s3], [sflag:s2] =	dma.local @!p0 [hbm:s0], s1  }
0x155: {  	s0 =	simm.s32 @!p0 $0x2  }
0x156: {  	_ =	swait.ge @!p0 [sflag:s0], s1  }
0x157: {  	s1 =	ssub.s32 @!p0 $0x0, s1;
	[sflag:s0] =	ssyncset.done @!p0 $0x0  }
0x158: {  	[sflag:s0] =	ssyncadd.s32 @!p0 s1  }
0x159: {  	[bflag:$0x3] =	sbarrier.arrive $0xFFFF  }
0x15a: {  	_ =	shalt  }

</sc_bundles>
